<compile_context>
chip_gen: v7x
topology: tpu7x:2x2x1
jax: 0.10.2.dev20260603
libtpu: 0.0.44.dev20260713+nightly
codegen_flags: <defaults>
</compile_context>

<pallas_src>
import functools

import jax
import jax.numpy as jnp
import numpy as np
from jax import lax
from jax.experimental import pallas as pl
from jax.experimental.pallas import tpu as pltpu
from jax.experimental.pallas import tpu_sc as plsc

_LOSS_COEF = 1e-2
_EPS = float(np.finfo(float).eps)

_T = 512
_HB = 1024


def _cv_sq(v):
    n = v.shape[0]
    mu = jnp.mean(v)
    var = jnp.sum((v - mu) ** 2) / (n - 1)
    return var / (mu * mu + 1e-10)


def _routing_kernel(x_ref, wg_ref, loss_ref, g2d_ref, dest_ref, texp_ref,
                    nt_ref, *, maxt):
    x = x_ref[...]
    wg = wg_ref[...]
    B = x.shape[0]
    ne = wg.shape[1]
    logits = lax.dot_general(
        x, wg, (((1,), (0,)), ((), ())), preferred_element_type=jnp.float32
    )
    cols = lax.broadcasted_iota(jnp.int32, logits.shape, 1)
    m1 = jnp.max(logits, axis=1, keepdims=True)
    i1 = jnp.min(jnp.where(logits == m1, cols, ne), axis=1, keepdims=True)
    masked = jnp.where(cols == i1, -jnp.inf, logits)
    m2 = jnp.max(masked, axis=1, keepdims=True)
    i2 = jnp.min(jnp.where(masked == m2, cols, ne), axis=1, keepdims=True)
    e2 = jnp.exp(m2 - m1)
    denom = 1.0 + e2
    g1 = 1.0 / denom
    g2 = e2 / denom

    oh1 = (cols == i1).astype(jnp.float32)
    oh2 = (cols == i2).astype(jnp.float32)
    gates = oh1 * g1 + jnp.where(g2 > 0, oh2 * g2, 0.0)
    importance = jnp.sum(gates, axis=0)
    load = jnp.sum((gates > 0).astype(jnp.float32), axis=0)
    loss_ref[...] = ((_cv_sq(importance) + _cv_sq(load)) * _LOSS_COEF)[
        None, None
    ]

    gcols = lax.broadcasted_iota(jnp.int32, g2d_ref.shape, 1)
    g2d_ref[...] = jnp.where(
        gcols == 0, g1, jnp.where(gcols == 1, g2, 0.0)
    )

    oh = jnp.concatenate([oh1, oh2], axis=0)
    c = oh
    step = 1
    while step < 2 * B:
        c = c + jnp.concatenate(
            [jnp.zeros((step, ne), jnp.float32), c[: 2 * B - step, :]], axis=0
        )
        step *= 2
    counts = c[2 * B - 1 : 2 * B, :]
    cnt_pad = jnp.ceil(counts / _T) * _T
    rl = lax.broadcasted_iota(jnp.int32, (ne, ne), 0)
    cl = lax.broadcasted_iota(jnp.int32, (ne, ne), 1)
    lower = (rl < cl).astype(jnp.float32)
    offs = lax.dot_general(
        cnt_pad, lower, (((1,), (0,)), ((), ())),
        preferred_element_type=jnp.float32,
    )
    ohs = jnp.concatenate([oh1, oh2], axis=0)
    dest = jnp.sum(ohs * (offs + c - 1.0), axis=1, keepdims=True)
    dest_ref[...] = dest.astype(jnp.int32)

    ends = offs + cnt_pad
    jt = lax.broadcasted_iota(jnp.int32, (maxt, 1), 0).astype(jnp.float32) * _T
    texp = jnp.sum((jt >= ends).astype(jnp.float32), axis=1, keepdims=True)
    texp_ref[...] = jnp.minimum(texp, float(ne - 1)).astype(jnp.int32)
    nt_ref[...] = (jnp.sum(cnt_pad) / _T).astype(jnp.int32)[None, None]


def _expert_kernel(texp_ref, nt_ref, xs_ref, W1_ref, b1_ref, W2_ref, b2_ref,
                   out_ref, oe_acc, sem, *, nhb, tt):
    hb = pl.program_id(0)
    j = pl.program_id(1)
    T = xs_ref.shape[0]

    @pl.when(j < nt_ref[0])
    def _():
        rows = pl.ds(j * T, T)
        h = lax.dot_general(
            xs_ref[...], W1_ref[0], (((1,), (0,)), ((), ())),
            preferred_element_type=jnp.float32,
        )
        h = jnp.maximum(h + b1_ref[0], 0.0)
        partial = lax.dot_general(
            h, W2_ref[0], (((1,), (0,)), ((), ())),
            preferred_element_type=jnp.float32,
        )

        @pl.when(hb == 0)
        def _():
            oe_acc[rows, :] = partial

        @pl.when(hb > 0)
        def _():
            oe_acc[rows, :] += partial

        @pl.when(hb == nhb - 1)
        def _():
            oe_acc[rows, :] = jnp.exp(oe_acc[rows, :] + b2_ref[0])

            @pl.when(j > 0)
            def _():
                prows = pl.ds((j - 1) * T, T)
                pltpu.make_async_copy(
                    oe_acc.at[prows, :], out_ref.at[prows, :], sem
                ).wait()

            pltpu.make_async_copy(
                oe_acc.at[rows, :], out_ref.at[rows, :], sem
            ).start()

    @pl.when(jnp.logical_and(hb == nhb - 1, j == tt - 1))
    def _():
        lrows = pl.ds((nt_ref[0] - 1) * T, T)
        pltpu.make_async_copy(
            oe_acc.at[lrows, :], out_ref.at[lrows, :], sem
        ).wait()


def _finalize_kernel(c_ref, g2d_ref, y_ref):
    c0 = c_ref[0]
    c1 = c_ref[1]
    g1 = g2d_ref[:, 0:1]
    g2 = g2d_ref[:, 1:2]
    acc = jnp.where(g1 > 0, g1 * c0, 0.0) + jnp.where(g2 > 0, g2 * c1, 0.0)
    y_ref[...] = jnp.log(jnp.where(acc == 0.0, jnp.float32(_EPS), acc))


def _sc_dispatch(x, dest, buf_rows):
    B, D = x.shape
    info = plsc.get_sparse_core_info()
    NW = info.num_cores * info.num_subcores
    tpw = B // NW

    @functools.partial(
        pl.kernel,
        out_type=jax.ShapeDtypeStruct((buf_rows, D), jnp.float32),
        mesh=plsc.VectorSubcoreMesh(core_axis_name="c", subcore_axis_name="s"),
        scratch_types=[
            pltpu.VMEM((tpw,), jnp.int32),
            pltpu.VMEM((tpw,), jnp.int32),
            pltpu.VMEM((tpw, D), jnp.float32),
            pltpu.SemaphoreType.DMA,
        ],
        compiler_params=pltpu.CompilerParams(needs_layout_passes=False),
    )
    def k(x_hbm, dest_hbm, out_hbm, idx0, idx1, rows_v, sem):
        wid = lax.axis_index("s") * info.num_cores + lax.axis_index("c")
        tb = wid * tpw
        pltpu.sync_copy(x_hbm.at[pl.ds(tb, tpw)], rows_v)
        pltpu.sync_copy(dest_hbm.at[pl.ds(tb, tpw)], idx0)
        pltpu.sync_copy(dest_hbm.at[pl.ds(B + tb, tpw)], idx1)
        c0 = pltpu.async_copy(rows_v, out_hbm.at[idx0], sem)
        c1 = pltpu.async_copy(rows_v, out_hbm.at[idx1], sem)
        c0.wait()
        c1.wait()

    return k(x, dest)


def _sc_gather_rows(table, idx, n_chunks):
    M = idx.shape[0]
    D = table.shape[1]
    info = plsc.get_sparse_core_info()
    NW = info.num_cores * info.num_subcores
    per_w = M // NW
    ch = per_w // n_chunks

    @functools.partial(
        pl.kernel,
        out_type=jax.ShapeDtypeStruct((M, D), jnp.float32),
        mesh=plsc.VectorSubcoreMesh(core_axis_name="c", subcore_axis_name="s"),
        scratch_types=[
            pltpu.VMEM((2, ch), jnp.int32),
            pltpu.VMEM((2, ch, D), jnp.float32),
            pltpu.SemaphoreType.DMA,
        ],
    )
    def k(table_hbm, idx_hbm, out_hbm, idx_v, rows_v, sem):
        wid = lax.axis_index("s") * info.num_cores + lax.axis_index("c")
        base = wid * per_w

        def start(c):
            b = c % 2
            off = base + c * ch
            pltpu.sync_copy(idx_hbm.at[pl.ds(off, ch)], idx_v.at[b])
            return pltpu.async_copy(
                table_hbm.at[idx_v.at[b]], rows_v.at[b], sem
            )

        handles = [None] * n_chunks
        for c in range(min(2, n_chunks)):
            handles[c] = start(c)
        for c in range(n_chunks):
            handles[c].wait()
            off = base + c * ch
            pltpu.sync_copy(rows_v.at[c % 2], out_hbm.at[pl.ds(off, ch)])
            if c + 2 < n_chunks:
                handles[c + 2] = start(c + 2)

    return k(table, idx)


def kernel(x, w_gate, W1, b1, W2, b2):
    B, D = x.shape
    ne = W1.shape[0]
    H = W1.shape[2]
    O = W2.shape[2]
    hbw = min(_HB, H)
    nhb = H // hbw
    maxt = -(-2 * B // _T) + ne - 1
    maxt += (-maxt) % 8
    buf = maxt * _T

    loss2d, g2d, dest2d, texp2d, nt2d = pl.pallas_call(
        functools.partial(_routing_kernel, maxt=maxt),
        out_shape=(
            jax.ShapeDtypeStruct((1, 1), jnp.float32),
            jax.ShapeDtypeStruct((B, 128), jnp.float32),
            jax.ShapeDtypeStruct((2 * B, 1), jnp.int32),
            jax.ShapeDtypeStruct((maxt, 1), jnp.int32),
            jax.ShapeDtypeStruct((1, 1), jnp.int32),
        ),
    )(x, w_gate)

    dest = dest2d.reshape(2 * B)
    xs = _sc_dispatch(x, dest, buf)

    b1r = b1.reshape(ne, 1, H)
    b2r = b2.reshape(ne, 1, O)
    texp = texp2d.reshape(maxt)
    nt = nt2d.reshape(1)

    contrib = pl.pallas_call(
        functools.partial(_expert_kernel, nhb=nhb, tt=maxt),
        grid_spec=pltpu.PrefetchScalarGridSpec(
            num_scalar_prefetch=2,
            grid=(nhb, maxt),
            in_specs=[
                pl.BlockSpec((_T, D), lambda hb, j, texp, nt: (j, 0)),
                pl.BlockSpec((1, D, hbw), lambda hb, j, texp, nt: (texp[j], 0, hb)),
                pl.BlockSpec((1, 1, hbw), lambda hb, j, texp, nt: (texp[j], 0, hb)),
                pl.BlockSpec((1, hbw, O), lambda hb, j, texp, nt: (texp[j], hb, 0)),
                pl.BlockSpec((1, 1, O), lambda hb, j, texp, nt: (texp[j], 0, 0)),
            ],
            out_specs=pl.BlockSpec(memory_space=pl.ANY),
            scratch_shapes=[
                pltpu.VMEM((buf, O), jnp.float32),
                pltpu.SemaphoreType.DMA,
            ],
        ),
        out_shape=jax.ShapeDtypeStruct((buf, O), jnp.float32),
        compiler_params=pltpu.CompilerParams(
            dimension_semantics=("arbitrary", "arbitrary"),
            vmem_limit_bytes=100 * 1024 * 1024,
        ),
    )(texp, nt, xs, W1, b1r, W2, b2r)

    crows = _sc_gather_rows(contrib, dest, 4).reshape(2, B, O)

    y = pl.pallas_call(
        _finalize_kernel,
        grid=(B // _T,),
        in_specs=[
            pl.BlockSpec((2, _T, O), lambda t: (0, t, 0)),
            pl.BlockSpec((_T, 128), lambda t: (t, 0)),
        ],
        out_specs=pl.BlockSpec((_T, O), lambda t: (t, 0)),
        out_shape=jax.ShapeDtypeStruct((B, O), jnp.float32),
    )(crows, g2d)

    return y, loss2d[0, 0]

# --- scband reference (transcript-rebuilt; emitter-appended) ---
"""Pipeline reference for scband-mo-e-share-gate-790273983070 (READ-ONLY COPY).

The authoritative reference and input builder live on the scoring server;
editing this copy changes nothing except your own understanding.
"""

import jax, jax.numpy as jnp
import numpy as np

B = 2048
INPUT_SIZE = 1024
OUTPUT_SIZE = 1024
HIDDEN_SIZE = 4096
NUM_EXPERTS = 8
K = 2
LOSS_COEF = 1e-2


def _cv_squared(v):
    v = v.astype(jnp.float32)
    if v.shape[0] == 1:
        return jnp.zeros((), jnp.float32)
    return jnp.var(v, ddof=1) / (jnp.mean(v) ** 2 + 1e-10)


def setup_inputs(seed: int = 0):
    key = jax.random.key(seed)
    ks = jax.random.split(key, 6)
    x = jax.random.normal(ks[0], (B, INPUT_SIZE), dtype=jnp.float32)
    # w_gate is zeros at torch init; use small random values so routing is nontrivial
    w_gate = jax.random.normal(ks[1], (INPUT_SIZE, NUM_EXPERTS), dtype=jnp.float32) * 0.02
    s1 = 1.0 / np.sqrt(INPUT_SIZE)
    s2 = 1.0 / np.sqrt(HIDDEN_SIZE)
    W1 = jax.random.uniform(ks[2], (NUM_EXPERTS, INPUT_SIZE, HIDDEN_SIZE), jnp.float32, -s1, s1)
    b1 = jax.random.uniform(ks[3], (NUM_EXPERTS, HIDDEN_SIZE), jnp.float32, -s1, s1)
    W2 = jax.random.uniform(ks[4], (NUM_EXPERTS, HIDDEN_SIZE, OUTPUT_SIZE), jnp.float32, -s2, s2)
    b2 = jax.random.uniform(ks[5], (NUM_EXPERTS, OUTPUT_SIZE), jnp.float32, -s2, s2)
    return {"x": x, "w_gate": w_gate, "W1": W1, "b1": b1, "W2": W2, "b2": b2}


def reference(x, w_gate, W1, b1, W2, b2):
    n = x.shape[0]
    # noisy_gating=False -> clean logits path (top-k gating)
    logits = x @ w_gate
    top_vals, top_idx = jax.lax.top_k(logits, K)
    top_gates = jax.nn.softmax(top_vals, axis=1)
    rows = jnp.arange(n)
    gates = jnp.zeros_like(logits).at[rows[:, None], top_idx].set(top_gates)
    importance = gates.sum(axis=0)
    load = (gates > 0).sum(axis=0).astype(jnp.float32)
    loss = (_cv_squared(importance) + _cv_squared(load)) * LOSS_COEF
    # SparseDispatcher: gather per-expert token slices, run expert MLP,
    # combine in log-space: log(sum_e gate * exp(expert_e(x)))
    acc = jnp.zeros((n, OUTPUT_SIZE), jnp.float32)
    for e in range(NUM_EXPERTS):
        mask = (gates[:, e] > 0)[:, None]
        h = jnp.maximum(x @ W1[e] + b1[e], 0.0)
        oe = h @ W2[e] + b2[e]
        contrib = jnp.exp(oe) * gates[:, e][:, None]
        acc = acc + jnp.where(mask, contrib, jnp.float32(0.0))
    acc = jnp.where(acc == 0.0, jnp.float32(np.finfo(float).eps), acc)
    y = jnp.log(acc)
    return y, loss

if __name__ == "__main__":
    import jax
    _d = setup_inputs()
    print(jax.jit(kernel)(*tuple(_d.values())))

</pallas_src>

<mosaic_0001>
#map = affine_map<(d0, d1) -> (0, 0)>
#map1 = affine_map<(d0, d1) -> (0)>
module attributes {stable_mosaic.version = 14 : i64} {
  func.func @k(%arg0: i32, %arg1: i32, %arg2: memref<8192x1024xf32, #tpu.memory_space<hbm>>, %arg3: memref<4096xi32, #tpu.memory_space<hbm>>, %arg4: memref<4096x1024xf32, #tpu.memory_space<hbm>>, %arg5: memref<2x32xi32, #tpu.memory_space<vmem>>, %arg6: memref<2x32x1024xf32, #tpu.memory_space<vmem>>, %arg7: memref<!tpu.dma_semaphore, #tpu.memory_space<semaphore_mem>>) attributes {dimension_semantics = [#tpu.dimension_semantics<core_parallel>, #tpu.dimension_semantics<subcore_parallel>], iteration_bounds = array<i64: 2, 16>, scalar_prefetch = 0 : i64, scratch_operands = 3 : i64, tpu.core_type = #tpu.core_type<sc_vector_subcore>, window_params = [{transform_indices = #map}, {transform_indices = #map1}, {transform_indices = #map}]} {
    %mul3A = arith.constant 2 : i32
    %mul3A_0 = arith.muli %arg1, %mul3A : i32
    %add3A = arith.addi %mul3A_0, %arg0 : i32
    %mul3A_1 = arith.constant 128 : i32
    %mul3A_2 = arith.muli %add3A, %mul3A_1 : i32
    %add3A_3 = arith.constant 0 : i32
    %add3A_4 = arith.addi %mul3A_2, %add3A_3 : i32
    %run_scoped3A = arith.constant 0 : i32
    "tpu.region"() ({
      %run_scoped3A_120 = tpu.sem_alloc : memref<!tpu.dma_semaphore, #tpu.memory_space<semaphore_mem>>
      %dma_start3A_121 = arith.constant 0 : i32
      %dma_start3A_122 = tpu.memref_slice %arg5[%run_scoped3A, %dma_start3A_121] : memref<2x32xi32, #tpu.memory_space<vmem>> -> memref<1x32xi32, #tpu.memory_space<vmem>>
      %dma_start3A_123 = tpu.memref_squeeze %dma_start3A_122 : memref<1x32xi32, #tpu.memory_space<vmem>> -> memref<32xi32, #tpu.memory_space<vmem>>
      %dma_start3A_124 = tpu.memref_slice %arg3[%add3A_4] : memref<4096xi32, #tpu.memory_space<hbm>> -> memref<32xi32, #tpu.memory_space<hbm>>
      %dma_start3A_125 = arith.constant 0 : i32
      %dma_start3A_126 = tpu.memref_slice %arg5[%run_scoped3A, %dma_start3A_125] : memref<2x32xi32, #tpu.memory_space<vmem>> -> memref<1x32xi32, #tpu.memory_space<vmem>>
      %dma_start3A_127 = tpu.memref_squeeze %dma_start3A_126 : memref<1x32xi32, #tpu.memory_space<vmem>> -> memref<32xi32, #tpu.memory_space<vmem>>
      %dma_start3A_128 = tpu.memref_slice %arg3[%add3A_4] : memref<4096xi32, #tpu.memory_space<hbm>> -> memref<32xi32, #tpu.memory_space<hbm>>
      tpu.enqueue_dma source(%dma_start3A_128 : memref<32xi32, #tpu.memory_space<hbm>>) target(%dma_start3A_127 : memref<32xi32, #tpu.memory_space<vmem>>) target_semaphore(%run_scoped3A_120 : memref<!tpu.dma_semaphore, #tpu.memory_space<semaphore_mem>>)
      %dma_wait3A_129 = arith.constant 0 : i32
      %dma_wait3A_130 = tpu.memref_slice %arg5[%run_scoped3A, %dma_wait3A_129] : memref<2x32xi32, #tpu.memory_space<vmem>> -> memref<1x32xi32, #tpu.memory_space<vmem>>
      %dma_wait3A_131 = tpu.memref_squeeze %dma_wait3A_130 : memref<1x32xi32, #tpu.memory_space<vmem>> -> memref<32xi32, #tpu.memory_space<vmem>>
      %dma_wait3A_132 = tpu.memref_slice %arg3[%add3A_4] : memref<4096xi32, #tpu.memory_space<hbm>> -> memref<32xi32, #tpu.memory_space<hbm>>
      %dma_wait3A_133 = arith.constant 0 : i32
      %dma_wait3A_134 = tpu.memref_slice %arg5[%run_scoped3A, %dma_wait3A_133] : memref<2x32xi32, #tpu.memory_space<vmem>> -> memref<1x32xi32, #tpu.memory_space<vmem>>
      %dma_wait3A_135 = tpu.memref_squeeze %dma_wait3A_134 : memref<1x32xi32, #tpu.memory_space<vmem>> -> memref<32xi32, #tpu.memory_space<vmem>>
      %dma_wait3A_136 = tpu.memref_slice %arg3[%add3A_4] : memref<4096xi32, #tpu.memory_space<hbm>> -> memref<32xi32, #tpu.memory_space<hbm>>
      tpu.wait_dma2 semaphore(%run_scoped3A_120 : memref<!tpu.dma_semaphore, #tpu.memory_space<semaphore_mem>>) src(%dma_wait3A_136 : memref<32xi32, #tpu.memory_space<hbm>>) dst(%dma_wait3A_135 : memref<32xi32, #tpu.memory_space<vmem>>)
      tpu.yield
    }) : () -> ()
    %dma_start3A = arith.constant 0 : i32
    %dma_start3A_5 = arith.constant 0 : i32
    %dma_start3A_6 = arith.constant 0 : i32
    %dma_start3A_7 = arith.constant 0 : i32
    %dma_start3A_8 = tpu.memref_slice %arg6[%dma_start3A_5, %dma_start3A_6, %dma_start3A_7] : memref<2x32x1024xf32, #tpu.memory_space<vmem>> -> memref<1x32x1024xf32, #tpu.memory_space<vmem>>
    %dma_start3A_9 = tpu.memref_squeeze %dma_start3A_8 : memref<1x32x1024xf32, #tpu.memory_space<vmem>> -> memref<32x1024xf32, #tpu.memory_space<vmem>>
    %dma_start3A_10 = arith.constant 0 : i32
    %dma_start3A_11 = tpu.memref_slice %arg5[%dma_start3A, %dma_start3A_10] : memref<2x32xi32, #tpu.memory_space<vmem>> -> memref<1x32xi32, #tpu.memory_space<vmem>>
    %dma_start3A_12 = tpu.memref_squeeze %dma_start3A_11 : memref<1x32xi32, #tpu.memory_space<vmem>> -> memref<32xi32, #tpu.memory_space<vmem>>
    %dma_start3A_13 = arith.constant 0 : i32
    %dma_start3A_14 = arith.constant 0 : i32
    %dma_start3A_15 = tpu.memref_slice %arg2[%dma_start3A_13, %dma_start3A_14] : memref<8192x1024xf32, #tpu.memory_space<hbm>> -> memref<8192x1024xf32, #tpu.memory_space<hbm>>
    tpu.enqueue_indirect_dma source(%dma_start3A_15 : memref<8192x1024xf32, #tpu.memory_space<hbm>>) target(%dma_start3A_9 : memref<32x1024xf32, #tpu.memory_space<vmem>>) offsets(%dma_start3A_12 : memref<32xi32, #tpu.memory_space<vmem>>) semaphore(%arg7 : memref<!tpu.dma_semaphore, #tpu.memory_space<semaphore_mem>>)
    %add3A_16 = arith.constant 32 : i32
    %add3A_17 = arith.addi %mul3A_2, %add3A_16 : i32
    %run_scoped3A_18 = arith.constant 1 : i32
    "tpu.region"() ({
      %run_scoped3A_120 = tpu.sem_alloc : memref<!tpu.dma_semaphore, #tpu.memory_space<semaphore_mem>>
      %dma_start3A_121 = arith.constant 0 : i32
      %dma_start3A_122 = tpu.memref_slice %arg5[%run_scoped3A_18, %dma_start3A_121] : memref<2x32xi32, #tpu.memory_space<vmem>> -> memref<1x32xi32, #tpu.memory_space<vmem>>
      %dma_start3A_123 = tpu.memref_squeeze %dma_start3A_122 : memref<1x32xi32, #tpu.memory_space<vmem>> -> memref<32xi32, #tpu.memory_space<vmem>>
      %dma_start3A_124 = tpu.memref_slice %arg3[%add3A_17] : memref<4096xi32, #tpu.memory_space<hbm>> -> memref<32xi32, #tpu.memory_space<hbm>>
      %dma_start3A_125 = arith.constant 0 : i32
      %dma_start3A_126 = tpu.memref_slice %arg5[%run_scoped3A_18, %dma_start3A_125] : memref<2x32xi32, #tpu.memory_space<vmem>> -> memref<1x32xi32, #tpu.memory_space<vmem>>
      %dma_start3A_127 = tpu.memref_squeeze %dma_start3A_126 : memref<1x32xi32, #tpu.memory_space<vmem>> -> memref<32xi32, #tpu.memory_space<vmem>>
      %dma_start3A_128 = tpu.memref_slice %arg3[%add3A_17] : memref<4096xi32, #tpu.memory_space<hbm>> -> memref<32xi32, #tpu.memory_space<hbm>>
      tpu.enqueue_dma source(%dma_start3A_128 : memref<32xi32, #tpu.memory_space<hbm>>) target(%dma_start3A_127 : memref<32xi32, #tpu.memory_space<vmem>>) target_semaphore(%run_scoped3A_120 : memref<!tpu.dma_semaphore, #tpu.memory_space<semaphore_mem>>)
      %dma_wait3A_129 = arith.constant 0 : i32
      %dma_wait3A_130 = tpu.memref_slice %arg5[%run_scoped3A_18, %dma_wait3A_129] : memref<2x32xi32, #tpu.memory_space<vmem>> -> memref<1x32xi32, #tpu.memory_space<vmem>>
      %dma_wait3A_131 = tpu.memref_squeeze %dma_wait3A_130 : memref<1x32xi32, #tpu.memory_space<vmem>> -> memref<32xi32, #tpu.memory_space<vmem>>
      %dma_wait3A_132 = tpu.memref_slice %arg3[%add3A_17] : memref<4096xi32, #tpu.memory_space<hbm>> -> memref<32xi32, #tpu.memory_space<hbm>>
      %dma_wait3A_133 = arith.constant 0 : i32
      %dma_wait3A_134 = tpu.memref_slice %arg5[%run_scoped3A_18, %dma_wait3A_133] : memref<2x32xi32, #tpu.memory_space<vmem>> -> memref<1x32xi32, #tpu.memory_space<vmem>>
      %dma_wait3A_135 = tpu.memref_squeeze %dma_wait3A_134 : memref<1x32xi32, #tpu.memory_space<vmem>> -> memref<32xi32, #tpu.memory_space<vmem>>
      %dma_wait3A_136 = tpu.memref_slice %arg3[%add3A_17] : memref<4096xi32, #tpu.memory_space<hbm>> -> memref<32xi32, #tpu.memory_space<hbm>>
      tpu.wait_dma2 semaphore(%run_scoped3A_120 : memref<!tpu.dma_semaphore, #tpu.memory_space<semaphore_mem>>) src(%dma_wait3A_136 : memref<32xi32, #tpu.memory_space<hbm>>) dst(%dma_wait3A_135 : memref<32xi32, #tpu.memory_space<vmem>>)
      tpu.yield
    }) : () -> ()
    %dma_start3A_19 = arith.constant 1 : i32
    %dma_start3A_20 = arith.constant 1 : i32
    %dma_start3A_21 = arith.constant 0 : i32
    %dma_start3A_22 = arith.constant 0 : i32
    %dma_start3A_23 = tpu.memref_slice %arg6[%dma_start3A_20, %dma_start3A_21, %dma_start3A_22] : memref<2x32x1024xf32, #tpu.memory_space<vmem>> -> memref<1x32x1024xf32, #tpu.memory_space<vmem>>
    %dma_start3A_24 = tpu.memref_squeeze %dma_start3A_23 : memref<1x32x1024xf32, #tpu.memory_space<vmem>> -> memref<32x1024xf32, #tpu.memory_space<vmem>>
    %dma_start3A_25 = arith.constant 0 : i32
    %dma_start3A_26 = tpu.memref_slice %arg5[%dma_start3A_19, %dma_start3A_25] : memref<2x32xi32, #tpu.memory_space<vmem>> -> memref<1x32xi32, #tpu.memory_space<vmem>>
    %dma_start3A_27 = tpu.memref_squeeze %dma_start3A_26 : memref<1x32xi32, #tpu.memory_space<vmem>> -> memref<32xi32, #tpu.memory_space<vmem>>
    %dma_start3A_28 = arith.constant 0 : i32
    %dma_start3A_29 = arith.constant 0 : i32
    %dma_start3A_30 = tpu.memref_slice %arg2[%dma_start3A_28, %dma_start3A_29] : memref<8192x1024xf32, #tpu.memory_space<hbm>> -> memref<8192x1024xf32, #tpu.memory_space<hbm>>
    tpu.enqueue_indirect_dma source(%dma_start3A_30 : memref<8192x1024xf32, #tpu.memory_space<hbm>>) target(%dma_start3A_24 : memref<32x1024xf32, #tpu.memory_space<vmem>>) offsets(%dma_start3A_27 : memref<32xi32, #tpu.memory_space<vmem>>) semaphore(%arg7 : memref<!tpu.dma_semaphore, #tpu.memory_space<semaphore_mem>>)
    %dma_wait3A = arith.constant 0 : i32
    %dma_wait3A_31 = arith.constant 0 : i32
    %dma_wait3A_32 = arith.constant 0 : i32
    %dma_wait3A_33 = arith.constant 0 : i32
    %dma_wait3A_34 = tpu.memref_slice %arg6[%dma_wait3A_31, %dma_wait3A_32, %dma_wait3A_33] : memref<2x32x1024xf32, #tpu.memory_space<vmem>> -> memref<1x32x1024xf32, #tpu.memory_space<vmem>>
    %dma_wait3A_35 = tpu.memref_squeeze %dma_wait3A_34 : memref<1x32x1024xf32, #tpu.memory_space<vmem>> -> memref<32x1024xf32, #tpu.memory_space<vmem>>
    %dma_wait3A_36 = arith.constant 0 : i32
    %dma_wait3A_37 = tpu.memref_slice %arg5[%dma_wait3A, %dma_wait3A_36] : memref<2x32xi32, #tpu.memory_space<vmem>> -> memref<1x32xi32, #tpu.memory_space<vmem>>
    %dma_wait3A_38 = tpu.memref_squeeze %dma_wait3A_37 : memref<1x32xi32, #tpu.memory_space<vmem>> -> memref<32xi32, #tpu.memory_space<vmem>>
    %dma_wait3A_39 = arith.constant 0 : i32
    %dma_wait3A_40 = arith.constant 0 : i32
    %dma_wait3A_41 = tpu.memref_slice %arg2[%dma_wait3A_39, %dma_wait3A_40] : memref<8192x1024xf32, #tpu.memory_space<hbm>> -> memref<8192x1024xf32, #tpu.memory_space<hbm>>
    tpu.wait_indirect_dma semaphore(%arg7 : memref<!tpu.dma_semaphore, #tpu.memory_space<semaphore_mem>>) src(%dma_wait3A_41 : memref<8192x1024xf32, #tpu.memory_space<hbm>>) dst(%dma_wait3A_35 : memref<32x1024xf32, #tpu.memory_space<vmem>>)
    %add3A_42 = arith.constant 0 : i32
    %add3A_43 = arith.addi %mul3A_2, %add3A_42 : i32
    %run_scoped3A_44 = arith.constant 0 : i32
    "tpu.region"() ({
      %run_scoped3A_120 = tpu.sem_alloc : memref<!tpu.dma_semaphore, #tpu.memory_space<semaphore_mem>>
      %dma_start3A_121 = arith.constant 0 : i32
      %dma_start3A_122 = arith.constant 0 : i32
      %dma_start3A_123 = tpu.memref_slice %arg6[%run_scoped3A_44, %dma_start3A_121, %dma_start3A_122] : memref<2x32x1024xf32, #tpu.memory_space<vmem>> -> memref<1x32x1024xf32, #tpu.memory_space<vmem>>
      %dma_start3A_124 = tpu.memref_squeeze %dma_start3A_123 : memref<1x32x1024xf32, #tpu.memory_space<vmem>> -> memref<32x1024xf32, #tpu.memory_space<vmem>>
      %dma_start3A_125 = arith.constant 0 : i32
      %dma_start3A_126 = tpu.memref_slice %arg4[%add3A_43, %dma_start3A_125] : memref<4096x1024xf32, #tpu.memory_space<hbm>> -> memref<32x1024xf32, #tpu.memory_space<hbm>>
      %dma_start3A_127 = arith.constant 0 : i32
      %dma_start3A_128 = tpu.memref_slice %arg4[%add3A_43, %dma_start3A_127] : memref<4096x1024xf32, #tpu.memory_space<hbm>> -> memref<32x1024xf32, #tpu.memory_space<hbm>>
      %dma_start3A_129 = arith.constant 0 : i32
      %dma_start3A_130 = arith.constant 0 : i32
      %dma_start3A_131 = tpu.memref_slice %arg6[%run_scoped3A_44, %dma_start3A_129, %dma_start3A_130] : memref<2x32x1024xf32, #tpu.memory_space<vmem>> -> memref<1x32x1024xf32, #tpu.memory_space<vmem>>
      %dma_start3A_132 = tpu.memref_squeeze %dma_start3A_131 : memref<1x32x1024xf32, #tpu.memory_space<vmem>> -> memref<32x1024xf32, #tpu.memory_space<vmem>>
      tpu.enqueue_dma source(%dma_start3A_132 : memref<32x1024xf32, #tpu.memory_space<vmem>>) target(%dma_start3A_128 : memref<32x1024xf32, #tpu.memory_space<hbm>>) target_semaphore(%run_scoped3A_120 : memref<!tpu.dma_semaphore, #tpu.memory_space<semaphore_mem>>)
      %dma_wait3A_133 = arith.constant 0 : i32
      %dma_wait3A_134 = arith.constant 0 : i32
      %dma_wait3A_135 = tpu.memref_slice %arg6[%run_scoped3A_44, %dma_wait3A_133, %dma_wait3A_134] : memref<2x32x1024xf32, #tpu.memory_space<vmem>> -> memref<1x32x1024xf32, #tpu.memory_space<vmem>>
      %dma_wait3A_136 = tpu.memref_squeeze %dma_wait3A_135 : memref<1x32x1024xf32, #tpu.memory_space<vmem>> -> memref<32x1024xf32, #tpu.memory_space<vmem>>
      %dma_wait3A_137 = arith.constant 0 : i32
      %dma_wait3A_138 = tpu.memref_slice %arg4[%add3A_43, %dma_wait3A_137] : memref<4096x1024xf32, #tpu.memory_space<hbm>> -> memref<32x1024xf32, #tpu.memory_space<hbm>>
      %dma_wait3A_139 = arith.constant 0 : i32
      %dma_wait3A_140 = tpu.memref_slice %arg4[%add3A_43, %dma_wait3A_139] : memref<4096x1024xf32, #tpu.memory_space<hbm>> -> memref<32x1024xf32, #tpu.memory_space<hbm>>
      %dma_wait3A_141 = arith.constant 0 : i32
      %dma_wait3A_142 = arith.constant 0 : i32
      %dma_wait3A_143 = tpu.memref_slice %arg6[%run_scoped3A_44, %dma_wait3A_141, %dma_wait3A_142] : memref<2x32x1024xf32, #tpu.memory_space<vmem>> -> memref<1x32x1024xf32, #tpu.memory_space<vmem>>
      %dma_wait3A_144 = tpu.memref_squeeze %dma_wait3A_143 : memref<1x32x1024xf32, #tpu.memory_space<vmem>> -> memref<32x1024xf32, #tpu.memory_space<vmem>>
      tpu.wait_dma2 semaphore(%run_scoped3A_120 : memref<!tpu.dma_semaphore, #tpu.memory_space<semaphore_mem>>) src(%dma_wait3A_144 : memref<32x1024xf32, #tpu.memory_space<vmem>>) dst(%dma_wait3A_140 : memref<32x1024xf32, #tpu.memory_space<hbm>>)
      tpu.yield
    }) : () -> ()
    %add3A_45 = arith.constant 64 : i32
    %add3A_46 = arith.addi %mul3A_2, %add3A_45 : i32
    %run_scoped3A_47 = arith.constant 0 : i32
    "tpu.region"() ({
      %run_scoped3A_120 = tpu.sem_alloc : memref<!tpu.dma_semaphore, #tpu.memory_space<semaphore_mem>>
      %dma_start3A_121 = arith.constant 0 : i32
      %dma_start3A_122 = tpu.memref_slice %arg5[%run_scoped3A_47, %dma_start3A_121] : memref<2x32xi32, #tpu.memory_space<vmem>> -> memref<1x32xi32, #tpu.memory_space<vmem>>
      %dma_start3A_123 = tpu.memref_squeeze %dma_start3A_122 : memref<1x32xi32, #tpu.memory_space<vmem>> -> memref<32xi32, #tpu.memory_space<vmem>>
      %dma_start3A_124 = tpu.memref_slice %arg3[%add3A_46] : memref<4096xi32, #tpu.memory_space<hbm>> -> memref<32xi32, #tpu.memory_space<hbm>>
      %dma_start3A_125 = arith.constant 0 : i32
      %dma_start3A_126 = tpu.memref_slice %arg5[%run_scoped3A_47, %dma_start3A_125] : memref<2x32xi32, #tpu.memory_space<vmem>> -> memref<1x32xi32, #tpu.memory_space<vmem>>
      %dma_start3A_127 = tpu.memref_squeeze %dma_start3A_126 : memref<1x32xi32, #tpu.memory_space<vmem>> -> memref<32xi32, #tpu.memory_space<vmem>>
      %dma_start3A_128 = tpu.memref_slice %arg3[%add3A_46] : memref<4096xi32, #tpu.memory_space<hbm>> -> memref<32xi32, #tpu.memory_space<hbm>>
      tpu.enqueue_dma source(%dma_start3A_128 : memref<32xi32, #tpu.memory_space<hbm>>) target(%dma_start3A_127 : memref<32xi32, #tpu.memory_space<vmem>>) target_semaphore(%run_scoped3A_120 : memref<!tpu.dma_semaphore, #tpu.memory_space<semaphore_mem>>)
      %dma_wait3A_129 = arith.constant 0 : i32
      %dma_wait3A_130 = tpu.memref_slice %arg5[%run_scoped3A_47, %dma_wait3A_129] : memref<2x32xi32, #tpu.memory_space<vmem>> -> memref<1x32xi32, #tpu.memory_space<vmem>>
      %dma_wait3A_131 = tpu.memref_squeeze %dma_wait3A_130 : memref<1x32xi32, #tpu.memory_space<vmem>> -> memref<32xi32, #tpu.memory_space<vmem>>
      %dma_wait3A_132 = tpu.memref_slice %arg3[%add3A_46] : memref<4096xi32, #tpu.memory_space<hbm>> -> memref<32xi32, #tpu.memory_space<hbm>>
      %dma_wait3A_133 = arith.constant 0 : i32
      %dma_wait3A_134 = tpu.memref_slice %arg5[%run_scoped3A_47, %dma_wait3A_133] : memref<2x32xi32, #tpu.memory_space<vmem>> -> memref<1x32xi32, #tpu.memory_space<vmem>>
      %dma_wait3A_135 = tpu.memref_squeeze %dma_wait3A_134 : memref<1x32xi32, #tpu.memory_space<vmem>> -> memref<32xi32, #tpu.memory_space<vmem>>
      %dma_wait3A_136 = tpu.memref_slice %arg3[%add3A_46] : memref<4096xi32, #tpu.memory_space<hbm>> -> memref<32xi32, #tpu.memory_space<hbm>>
      tpu.wait_dma2 semaphore(%run_scoped3A_120 : memref<!tpu.dma_semaphore, #tpu.memory_space<semaphore_mem>>) src(%dma_wait3A_136 : memref<32xi32, #tpu.memory_space<hbm>>) dst(%dma_wait3A_135 : memref<32xi32, #tpu.memory_space<vmem>>)
      tpu.yield
    }) : () -> ()
    %dma_start3A_48 = arith.constant 0 : i32
    %dma_start3A_49 = arith.constant 0 : i32
    %dma_start3A_50 = arith.constant 0 : i32
    %dma_start3A_51 = arith.constant 0 : i32
    %dma_start3A_52 = tpu.memref_slice %arg6[%dma_start3A_49, %dma_start3A_50, %dma_start3A_51] : memref<2x32x1024xf32, #tpu.memory_space<vmem>> -> memref<1x32x1024xf32, #tpu.memory_space<vmem>>
    %dma_start3A_53 = tpu.memref_squeeze %dma_start3A_52 : memref<1x32x1024xf32, #tpu.memory_space<vmem>> -> memref<32x1024xf32, #tpu.memory_space<vmem>>
    %dma_start3A_54 = arith.constant 0 : i32
    %dma_start3A_55 = tpu.memref_slice %arg5[%dma_start3A_48, %dma_start3A_54] : memref<2x32xi32, #tpu.memory_space<vmem>> -> memref<1x32xi32, #tpu.memory_space<vmem>>
    %dma_start3A_56 = tpu.memref_squeeze %dma_start3A_55 : memref<1x32xi32, #tpu.memory_space<vmem>> -> memref<32xi32, #tpu.memory_space<vmem>>
    %dma_start3A_57 = arith.constant 0 : i32
    %dma_start3A_58 = arith.constant 0 : i32
    %dma_start3A_59 = tpu.memref_slice %arg2[%dma_start3A_57, %dma_start3A_58] : memref<8192x1024xf32, #tpu.memory_space<hbm>> -> memref<8192x1024xf32, #tpu.memory_space<hbm>>
    tpu.enqueue_indirect_dma source(%dma_start3A_59 : memref<8192x1024xf32, #tpu.memory_space<hbm>>) target(%dma_start3A_53 : memref<32x1024xf32, #tpu.memory_space<vmem>>) offsets(%dma_start3A_56 : memref<32xi32, #tpu.memory_space<vmem>>) semaphore(%arg7 : memref<!tpu.dma_semaphore, #tpu.memory_space<semaphore_mem>>)
    %dma_wait3A_60 = arith.constant 1 : i32
    %dma_wait3A_61 = arith.constant 1 : i32
    %dma_wait3A_62 = arith.constant 0 : i32
    %dma_wait3A_63 = arith.constant 0 : i32
    %dma_wait3A_64 = tpu.memref_slice %arg6[%dma_wait3A_61, %dma_wait3A_62, %dma_wait3A_63] : memref<2x32x1024xf32, #tpu.memory_space<vmem>> -> memref<1x32x1024xf32, #tpu.memory_space<vmem>>
    %dma_wait3A_65 = tpu.memref_squeeze %dma_wait3A_64 : memref<1x32x1024xf32, #tpu.memory_space<vmem>> -> memref<32x1024xf32, #tpu.memory_space<vmem>>
    %dma_wait3A_66 = arith.constant 0 : i32
    %dma_wait3A_67 = tpu.memref_slice %arg5[%dma_wait3A_60, %dma_wait3A_66] : memref<2x32xi32, #tpu.memory_space<vmem>> -> memref<1x32xi32, #tpu.memory_space<vmem>>
    %dma_wait3A_68 = tpu.memref_squeeze %dma_wait3A_67 : memref<1x32xi32, #tpu.memory_space<vmem>> -> memref<32xi32, #tpu.memory_space<vmem>>
    %dma_wait3A_69 = arith.constant 0 : i32
    %dma_wait3A_70 = arith.constant 0 : i32
    %dma_wait3A_71 = tpu.memref_slice %arg2[%dma_wait3A_69, %dma_wait3A_70] : memref<8192x1024xf32, #tpu.memory_space<hbm>> -> memref<8192x1024xf32, #tpu.memory_space<hbm>>
    tpu.wait_indirect_dma semaphore(%arg7 : memref<!tpu.dma_semaphore, #tpu.memory_space<semaphore_mem>>) src(%dma_wait3A_71 : memref<8192x1024xf32, #tpu.memory_space<hbm>>) dst(%dma_wait3A_65 : memref<32x1024xf32, #tpu.memory_space<vmem>>)
    %add3A_72 = arith.constant 32 : i32
    %add3A_73 = arith.addi %mul3A_2, %add3A_72 : i32
    %run_scoped3A_74 = arith.constant 1 : i32
    "tpu.region"() ({
      %run_scoped3A_120 = tpu.sem_alloc : memref<!tpu.dma_semaphore, #tpu.memory_space<semaphore_mem>>
      %dma_start3A_121 = arith.constant 0 : i32
      %dma_start3A_122 = arith.constant 0 : i32
      %dma_start3A_123 = tpu.memref_slice %arg6[%run_scoped3A_74, %dma_start3A_121, %dma_start3A_122] : memref<2x32x1024xf32, #tpu.memory_space<vmem>> -> memref<1x32x1024xf32, #tpu.memory_space<vmem>>
      %dma_start3A_124 = tpu.memref_squeeze %dma_start3A_123 : memref<1x32x1024xf32, #tpu.memory_space<vmem>> -> memref<32x1024xf32, #tpu.memory_space<vmem>>
      %dma_start3A_125 = arith.constant 0 : i32
      %dma_start3A_126 = tpu.memref_slice %arg4[%add3A_73, %dma_start3A_125] : memref<4096x1024xf32, #tpu.memory_space<hbm>> -> memref<32x1024xf32, #tpu.memory_space<hbm>>
      %dma_start3A_127 = arith.constant 0 : i32
      %dma_start3A_128 = tpu.memref_slice %arg4[%add3A_73, %dma_start3A_127] : memref<4096x1024xf32, #tpu.memory_space<hbm>> -> memref<32x1024xf32, #tpu.memory_space<hbm>>
      %dma_start3A_129 = arith.constant 0 : i32
      %dma_start3A_130 = arith.constant 0 : i32
      %dma_start3A_131 = tpu.memref_slice %arg6[%run_scoped3A_74, %dma_start3A_129, %dma_start3A_130] : memref<2x32x1024xf32, #tpu.memory_space<vmem>> -> memref<1x32x1024xf32, #tpu.memory_space<vmem>>
      %dma_start3A_132 = tpu.memref_squeeze %dma_start3A_131 : memref<1x32x1024xf32, #tpu.memory_space<vmem>> -> memref<32x1024xf32, #tpu.memory_space<vmem>>
      tpu.enqueue_dma source(%dma_start3A_132 : memref<32x1024xf32, #tpu.memory_space<vmem>>) target(%dma_start3A_128 : memref<32x1024xf32, #tpu.memory_space<hbm>>) target_semaphore(%run_scoped3A_120 : memref<!tpu.dma_semaphore, #tpu.memory_space<semaphore_mem>>)
      %dma_wait3A_133 = arith.constant 0 : i32
      %dma_wait3A_134 = arith.constant 0 : i32
      %dma_wait3A_135 = tpu.memref_slice %arg6[%run_scoped3A_74, %dma_wait3A_133, %dma_wait3A_134] : memref<2x32x1024xf32, #tpu.memory_space<vmem>> -> memref<1x32x1024xf32, #tpu.memory_space<vmem>>
      %dma_wait3A_136 = tpu.memref_squeeze %dma_wait3A_135 : memref<1x32x1024xf32, #tpu.memory_space<vmem>> -> memref<32x1024xf32, #tpu.memory_space<vmem>>
      %dma_wait3A_137 = arith.constant 0 : i32
      %dma_wait3A_138 = tpu.memref_slice %arg4[%add3A_73, %dma_wait3A_137] : memref<4096x1024xf32, #tpu.memory_space<hbm>> -> memref<32x1024xf32, #tpu.memory_space<hbm>>
      %dma_wait3A_139 = arith.constant 0 : i32
      %dma_wait3A_140 = tpu.memref_slice %arg4[%add3A_73, %dma_wait3A_139] : memref<4096x1024xf32, #tpu.memory_space<hbm>> -> memref<32x1024xf32, #tpu.memory_space<hbm>>
      %dma_wait3A_141 = arith.constant 0 : i32
      %dma_wait3A_142 = arith.constant 0 : i32
      %dma_wait3A_143 = tpu.memref_slice %arg6[%run_scoped3A_74, %dma_wait3A_141, %dma_wait3A_142] : memref<2x32x1024xf32, #tpu.memory_space<vmem>> -> memref<1x32x1024xf32, #tpu.memory_space<vmem>>
      %dma_wait3A_144 = tpu.memref_squeeze %dma_wait3A_143 : memref<1x32x1024xf32, #tpu.memory_space<vmem>> -> memref<32x1024xf32, #tpu.memory_space<vmem>>
      tpu.wait_dma2 semaphore(%run_scoped3A_120 : memref<!tpu.dma_semaphore, #tpu.memory_space<semaphore_mem>>) src(%dma_wait3A_144 : memref<32x1024xf32, #tpu.memory_space<vmem>>) dst(%dma_wait3A_140 : memref<32x1024xf32, #tpu.memory_space<hbm>>)
      tpu.yield
    }) : () -> ()
    %add3A_75 = arith.constant 96 : i32
    %add3A_76 = arith.addi %mul3A_2, %add3A_75 : i32
    %run_scoped3A_77 = arith.constant 1 : i32
    "tpu.region"() ({
      %run_scoped3A_120 = tpu.sem_alloc : memref<!tpu.dma_semaphore, #tpu.memory_space<semaphore_mem>>
      %dma_start3A_121 = arith.constant 0 : i32
      %dma_start3A_122 = tpu.memref_slice %arg5[%run_scoped3A_77, %dma_start3A_121] : memref<2x32xi32, #tpu.memory_space<vmem>> -> memref<1x32xi32, #tpu.memory_space<vmem>>
      %dma_start3A_123 = tpu.memref_squeeze %dma_start3A_122 : memref<1x32xi32, #tpu.memory_space<vmem>> -> memref<32xi32, #tpu.memory_space<vmem>>
      %dma_start3A_124 = tpu.memref_slice %arg3[%add3A_76] : memref<4096xi32, #tpu.memory_space<hbm>> -> memref<32xi32, #tpu.memory_space<hbm>>
      %dma_start3A_125 = arith.constant 0 : i32
      %dma_start3A_126 = tpu.memref_slice %arg5[%run_scoped3A_77, %dma_start3A_125] : memref<2x32xi32, #tpu.memory_space<vmem>> -> memref<1x32xi32, #tpu.memory_space<vmem>>
      %dma_start3A_127 = tpu.memref_squeeze %dma_start3A_126 : memref<1x32xi32, #tpu.memory_space<vmem>> -> memref<32xi32, #tpu.memory_space<vmem>>
      %dma_start3A_128 = tpu.memref_slice %arg3[%add3A_76] : memref<4096xi32, #tpu.memory_space<hbm>> -> memref<32xi32, #tpu.memory_space<hbm>>
      tpu.enqueue_dma source(%dma_start3A_128 : memref<32xi32, #tpu.memory_space<hbm>>) target(%dma_start3A_127 : memref<32xi32, #tpu.memory_space<vmem>>) target_semaphore(%run_scoped3A_120 : memref<!tpu.dma_semaphore, #tpu.memory_space<semaphore_mem>>)
      %dma_wait3A_129 = arith.constant 0 : i32
      %dma_wait3A_130 = tpu.memref_slice %arg5[%run_scoped3A_77, %dma_wait3A_129] : memref<2x32xi32, #tpu.memory_space<vmem>> -> memref<1x32xi32, #tpu.memory_space<vmem>>
      %dma_wait3A_131 = tpu.memref_squeeze %dma_wait3A_130 : memref<1x32xi32, #tpu.memory_space<vmem>> -> memref<32xi32, #tpu.memory_space<vmem>>
      %dma_wait3A_132 = tpu.memref_slice %arg3[%add3A_76] : memref<4096xi32, #tpu.memory_space<hbm>> -> memref<32xi32, #tpu.memory_space<hbm>>
      %dma_wait3A_133 = arith.constant 0 : i32
      %dma_wait3A_134 = tpu.memref_slice %arg5[%run_scoped3A_77, %dma_wait3A_133] : memref<2x32xi32, #tpu.memory_space<vmem>> -> memref<1x32xi32, #tpu.memory_space<vmem>>
      %dma_wait3A_135 = tpu.memref_squeeze %dma_wait3A_134 : memref<1x32xi32, #tpu.memory_space<vmem>> -> memref<32xi32, #tpu.memory_space<vmem>>
      %dma_wait3A_136 = tpu.memref_slice %arg3[%add3A_76] : memref<4096xi32, #tpu.memory_space<hbm>> -> memref<32xi32, #tpu.memory_space<hbm>>
      tpu.wait_dma2 semaphore(%run_scoped3A_120 : memref<!tpu.dma_semaphore, #tpu.memory_space<semaphore_mem>>) src(%dma_wait3A_136 : memref<32xi32, #tpu.memory_space<hbm>>) dst(%dma_wait3A_135 : memref<32xi32, #tpu.memory_space<vmem>>)
      tpu.yield
    }) : () -> ()
    %dma_start3A_78 = arith.constant 1 : i32
    %dma_start3A_79 = arith.constant 1 : i32
    %dma_start3A_80 = arith.constant 0 : i32
    %dma_start3A_81 = arith.constant 0 : i32
    %dma_start3A_82 = tpu.memref_slice %arg6[%dma_start3A_79, %dma_start3A_80, %dma_start3A_81] : memref<2x32x1024xf32, #tpu.memory_space<vmem>> -> memref<1x32x1024xf32, #tpu.memory_space<vmem>>
    %dma_start3A_83 = tpu.memref_squeeze %dma_start3A_82 : memref<1x32x1024xf32, #tpu.memory_space<vmem>> -> memref<32x1024xf32, #tpu.memory_space<vmem>>
    %dma_start3A_84 = arith.constant 0 : i32
    %dma_start3A_85 = tpu.memref_slice %arg5[%dma_start3A_78, %dma_start3A_84] : memref<2x32xi32, #tpu.memory_space<vmem>> -> memref<1x32xi32, #tpu.memory_space<vmem>>
    %dma_start3A_86 = tpu.memref_squeeze %dma_start3A_85 : memref<1x32xi32, #tpu.memory_space<vmem>> -> memref<32xi32, #tpu.memory_space<vmem>>
    %dma_start3A_87 = arith.constant 0 : i32
    %dma_start3A_88 = arith.constant 0 : i32
    %dma_start3A_89 = tpu.memref_slice %arg2[%dma_start3A_87, %dma_start3A_88] : memref<8192x1024xf32, #tpu.memory_space<hbm>> -> memref<8192x1024xf32, #tpu.memory_space<hbm>>
    tpu.enqueue_indirect_dma source(%dma_start3A_89 : memref<8192x1024xf32, #tpu.memory_space<hbm>>) target(%dma_start3A_83 : memref<32x1024xf32, #tpu.memory_space<vmem>>) offsets(%dma_start3A_86 : memref<32xi32, #tpu.memory_space<vmem>>) semaphore(%arg7 : memref<!tpu.dma_semaphore, #tpu.memory_space<semaphore_mem>>)
    %dma_wait3A_90 = arith.constant 0 : i32
    %dma_wait3A_91 = arith.constant 0 : i32
    %dma_wait3A_92 = arith.constant 0 : i32
    %dma_wait3A_93 = arith.constant 0 : i32
    %dma_wait3A_94 = tpu.memref_slice %arg6[%dma_wait3A_91, %dma_wait3A_92, %dma_wait3A_93] : memref<2x32x1024xf32, #tpu.memory_space<vmem>> -> memref<1x32x1024xf32, #tpu.memory_space<vmem>>
    %dma_wait3A_95 = tpu.memref_squeeze %dma_wait3A_94 : memref<1x32x1024xf32, #tpu.memory_space<vmem>> -> memref<32x1024xf32, #tpu.memory_space<vmem>>
    %dma_wait3A_96 = arith.constant 0 : i32
    %dma_wait3A_97 = tpu.memref_slice %arg5[%dma_wait3A_90, %dma_wait3A_96] : memref<2x32xi32, #tpu.memory_space<vmem>> -> memref<1x32xi32, #tpu.memory_space<vmem>>
    %dma_wait3A_98 = tpu.memref_squeeze %dma_wait3A_97 : memref<1x32xi32, #tpu.memory_space<vmem>> -> memref<32xi32, #tpu.memory_space<vmem>>
    %dma_wait3A_99 = arith.constant 0 : i32
    %dma_wait3A_100 = arith.constant 0 : i32
    %dma_wait3A_101 = tpu.memref_slice %arg2[%dma_wait3A_99, %dma_wait3A_100] : memref<8192x1024xf32, #tpu.memory_space<hbm>> -> memref<8192x1024xf32, #tpu.memory_space<hbm>>
    tpu.wait_indirect_dma semaphore(%arg7 : memref<!tpu.dma_semaphore, #tpu.memory_space<semaphore_mem>>) src(%dma_wait3A_101 : memref<8192x1024xf32, #tpu.memory_space<hbm>>) dst(%dma_wait3A_95 : memref<32x1024xf32, #tpu.memory_space<vmem>>)
    %add3A_102 = arith.constant 64 : i32
    %add3A_103 = arith.addi %mul3A_2, %add3A_102 : i32
    %run_scoped3A_104 = arith.constant 0 : i32
    "tpu.region"() ({
      %run_scoped3A_120 = tpu.sem_alloc : memref<!tpu.dma_semaphore, #tpu.memory_space<semaphore_mem>>
      %dma_start3A_121 = arith.constant 0 : i32
      %dma_start3A_122 = arith.constant 0 : i32
      %dma_start3A_123 = tpu.memref_slice %arg6[%run_scoped3A_104, %dma_start3A_121, %dma_start3A_122] : memref<2x32x1024xf32, #tpu.memory_space<vmem>> -> memref<1x32x1024xf32, #tpu.memory_space<vmem>>
      %dma_start3A_124 = tpu.memref_squeeze %dma_start3A_123 : memref<1x32x1024xf32, #tpu.memory_space<vmem>> -> memref<32x1024xf32, #tpu.memory_space<vmem>>
      %dma_start3A_125 = arith.constant 0 : i32
      %dma_start3A_126 = tpu.memref_slice %arg4[%add3A_103, %dma_start3A_125] : memref<4096x1024xf32, #tpu.memory_space<hbm>> -> memref<32x1024xf32, #tpu.memory_space<hbm>>
      %dma_start3A_127 = arith.constant 0 : i32
      %dma_start3A_128 = tpu.memref_slice %arg4[%add3A_103, %dma_start3A_127] : memref<4096x1024xf32, #tpu.memory_space<hbm>> -> memref<32x1024xf32, #tpu.memory_space<hbm>>
      %dma_start3A_129 = arith.constant 0 : i32
      %dma_start3A_130 = arith.constant 0 : i32
      %dma_start3A_131 = tpu.memref_slice %arg6[%run_scoped3A_104, %dma_start3A_129, %dma_start3A_130] : memref<2x32x1024xf32, #tpu.memory_space<vmem>> -> memref<1x32x1024xf32, #tpu.memory_space<vmem>>
      %dma_start3A_132 = tpu.memref_squeeze %dma_start3A_131 : memref<1x32x1024xf32, #tpu.memory_space<vmem>> -> memref<32x1024xf32, #tpu.memory_space<vmem>>
      tpu.enqueue_dma source(%dma_start3A_132 : memref<32x1024xf32, #tpu.memory_space<vmem>>) target(%dma_start3A_128 : memref<32x1024xf32, #tpu.memory_space<hbm>>) target_semaphore(%run_scoped3A_120 : memref<!tpu.dma_semaphore, #tpu.memory_space<semaphore_mem>>)
      %dma_wait3A_133 = arith.constant 0 : i32
      %dma_wait3A_134 = arith.constant 0 : i32
      %dma_wait3A_135 = tpu.memref_slice %arg6[%run_scoped3A_104, %dma_wait3A_133, %dma_wait3A_134] : memref<2x32x1024xf32, #tpu.memory_space<vmem>> -> memref<1x32x1024xf32, #tpu.memory_space<vmem>>
      %dma_wait3A_136 = tpu.memref_squeeze %dma_wait3A_135 : memref<1x32x1024xf32, #tpu.memory_space<vmem>> -> memref<32x1024xf32, #tpu.memory_space<vmem>>
      %dma_wait3A_137 = arith.constant 0 : i32
      %dma_wait3A_138 = tpu.memref_slice %arg4[%add3A_103, %dma_wait3A_137] : memref<4096x1024xf32, #tpu.memory_space<hbm>> -> memref<32x1024xf32, #tpu.memory_space<hbm>>
      %dma_wait3A_139 = arith.constant 0 : i32
      %dma_wait3A_140 = tpu.memref_slice %arg4[%add3A_103, %dma_wait3A_139] : memref<4096x1024xf32, #tpu.memory_space<hbm>> -> memref<32x1024xf32, #tpu.memory_space<hbm>>
      %dma_wait3A_141 = arith.constant 0 : i32
      %dma_wait3A_142 = arith.constant 0 : i32
      %dma_wait3A_143 = tpu.memref_slice %arg6[%run_scoped3A_104, %dma_wait3A_141, %dma_wait3A_142] : memref<2x32x1024xf32, #tpu.memory_space<vmem>> -> memref<1x32x1024xf32, #tpu.memory_space<vmem>>
      %dma_wait3A_144 = tpu.memref_squeeze %dma_wait3A_143 : memref<1x32x1024xf32, #tpu.memory_space<vmem>> -> memref<32x1024xf32, #tpu.memory_space<vmem>>
      tpu.wait_dma2 semaphore(%run_scoped3A_120 : memref<!tpu.dma_semaphore, #tpu.memory_space<semaphore_mem>>) src(%dma_wait3A_144 : memref<32x1024xf32, #tpu.memory_space<vmem>>) dst(%dma_wait3A_140 : memref<32x1024xf32, #tpu.memory_space<hbm>>)
      tpu.yield
    }) : () -> ()
    %dma_wait3A_105 = arith.constant 1 : i32
    %dma_wait3A_106 = arith.constant 1 : i32
    %dma_wait3A_107 = arith.constant 0 : i32
    %dma_wait3A_108 = arith.constant 0 : i32
    %dma_wait3A_109 = tpu.memref_slice %arg6[%dma_wait3A_106, %dma_wait3A_107, %dma_wait3A_108] : memref<2x32x1024xf32, #tpu.memory_space<vmem>> -> memref<1x32x1024xf32, #tpu.memory_space<vmem>>
    %dma_wait3A_110 = tpu.memref_squeeze %dma_wait3A_109 : memref<1x32x1024xf32, #tpu.memory_space<vmem>> -> memref<32x1024xf32, #tpu.memory_space<vmem>>
    %dma_wait3A_111 = arith.constant 0 : i32
    %dma_wait3A_112 = tpu.memref_slice %arg5[%dma_wait3A_105, %dma_wait3A_111] : memref<2x32xi32, #tpu.memory_space<vmem>> -> memref<1x32xi32, #tpu.memory_space<vmem>>
    %dma_wait3A_113 = tpu.memref_squeeze %dma_wait3A_112 : memref<1x32xi32, #tpu.memory_space<vmem>> -> memref<32xi32, #tpu.memory_space<vmem>>
    %dma_wait3A_114 = arith.constant 0 : i32
    %dma_wait3A_115 = arith.constant 0 : i32
    %dma_wait3A_116 = tpu.memref_slice %arg2[%dma_wait3A_114, %dma_wait3A_115] : memref<8192x1024xf32, #tpu.memory_space<hbm>> -> memref<8192x1024xf32, #tpu.memory_space<hbm>>
    tpu.wait_indirect_dma semaphore(%arg7 : memref<!tpu.dma_semaphore, #tpu.memory_space<semaphore_mem>>) src(%dma_wait3A_116 : memref<8192x1024xf32, #tpu.memory_space<hbm>>) dst(%dma_wait3A_110 : memref<32x1024xf32, #tpu.memory_space<vmem>>)
    %add3A_117 = arith.constant 96 : i32
    %add3A_118 = arith.addi %mul3A_2, %add3A_117 : i32
    %run_scoped3A_119 = arith.constant 1 : i32
    "tpu.region"() ({
      %run_scoped3A_120 = tpu.sem_alloc : memref<!tpu.dma_semaphore, #tpu.memory_space<semaphore_mem>>
      %dma_start3A_121 = arith.constant 0 : i32
      %dma_start3A_122 = arith.constant 0 : i32
      %dma_start3A_123 = tpu.memref_slice %arg6[%run_scoped3A_119, %dma_start3A_121, %dma_start3A_122] : memref<2x32x1024xf32, #tpu.memory_space<vmem>> -> memref<1x32x1024xf32, #tpu.memory_space<vmem>>
      %dma_start3A_124 = tpu.memref_squeeze %dma_start3A_123 : memref<1x32x1024xf32, #tpu.memory_space<vmem>> -> memref<32x1024xf32, #tpu.memory_space<vmem>>
      %dma_start3A_125 = arith.constant 0 : i32
      %dma_start3A_126 = tpu.memref_slice %arg4[%add3A_118, %dma_start3A_125] : memref<4096x1024xf32, #tpu.memory_space<hbm>> -> memref<32x1024xf32, #tpu.memory_space<hbm>>
      %dma_start3A_127 = arith.constant 0 : i32
      %dma_start3A_128 = tpu.memref_slice %arg4[%add3A_118, %dma_start3A_127] : memref<4096x1024xf32, #tpu.memory_space<hbm>> -> memref<32x1024xf32, #tpu.memory_space<hbm>>
      %dma_start3A_129 = arith.constant 0 : i32
      %dma_start3A_130 = arith.constant 0 : i32
      %dma_start3A_131 = tpu.memref_slice %arg6[%run_scoped3A_119, %dma_start3A_129, %dma_start3A_130] : memref<2x32x1024xf32, #tpu.memory_space<vmem>> -> memref<1x32x1024xf32, #tpu.memory_space<vmem>>
      %dma_start3A_132 = tpu.memref_squeeze %dma_start3A_131 : memref<1x32x1024xf32, #tpu.memory_space<vmem>> -> memref<32x1024xf32, #tpu.memory_space<vmem>>
      tpu.enqueue_dma source(%dma_start3A_132 : memref<32x1024xf32, #tpu.memory_space<vmem>>) target(%dma_start3A_128 : memref<32x1024xf32, #tpu.memory_space<hbm>>) target_semaphore(%run_scoped3A_120 : memref<!tpu.dma_semaphore, #tpu.memory_space<semaphore_mem>>)
      %dma_wait3A_133 = arith.constant 0 : i32
      %dma_wait3A_134 = arith.constant 0 : i32
      %dma_wait3A_135 = tpu.memref_slice %arg6[%run_scoped3A_119, %dma_wait3A_133, %dma_wait3A_134] : memref<2x32x1024xf32, #tpu.memory_space<vmem>> -> memref<1x32x1024xf32, #tpu.memory_space<vmem>>
      %dma_wait3A_136 = tpu.memref_squeeze %dma_wait3A_135 : memref<1x32x1024xf32, #tpu.memory_space<vmem>> -> memref<32x1024xf32, #tpu.memory_space<vmem>>
      %dma_wait3A_137 = arith.constant 0 : i32
      %dma_wait3A_138 = tpu.memref_slice %arg4[%add3A_118, %dma_wait3A_137] : memref<4096x1024xf32, #tpu.memory_space<hbm>> -> memref<32x1024xf32, #tpu.memory_space<hbm>>
      %dma_wait3A_139 = arith.constant 0 : i32
      %dma_wait3A_140 = tpu.memref_slice %arg4[%add3A_118, %dma_wait3A_139] : memref<4096x1024xf32, #tpu.memory_space<hbm>> -> memref<32x1024xf32, #tpu.memory_space<hbm>>
      %dma_wait3A_141 = arith.constant 0 : i32
      %dma_wait3A_142 = arith.constant 0 : i32
      %dma_wait3A_143 = tpu.memref_slice %arg6[%run_scoped3A_119, %dma_wait3A_141, %dma_wait3A_142] : memref<2x32x1024xf32, #tpu.memory_space<vmem>> -> memref<1x32x1024xf32, #tpu.memory_space<vmem>>
      %dma_wait3A_144 = tpu.memref_squeeze %dma_wait3A_143 : memref<1x32x1024xf32, #tpu.memory_space<vmem>> -> memref<32x1024xf32, #tpu.memory_space<vmem>>
      tpu.wait_dma2 semaphore(%run_scoped3A_120 : memref<!tpu.dma_semaphore, #tpu.memory_space<semaphore_mem>>) src(%dma_wait3A_144 : memref<32x1024xf32, #tpu.memory_space<vmem>>) dst(%dma_wait3A_140 : memref<32x1024xf32, #tpu.memory_space<hbm>>)
      tpu.yield
    }) : () -> ()
    return
  }
}

#map = affine_map<(d0, d1) -> (0, 0)>
#map1 = affine_map<(d0, d1) -> (0)>
module attributes {stable_mosaic.version = 14 : i64} {
  func.func @k(%arg0: i32, %arg1: i32, %arg2: memref<2048x1024xf32, #tpu.memory_space<hbm>>, %arg3: memref<4096xi32, #tpu.memory_space<hbm>>, %arg4: memref<8192x1024xf32, #tpu.memory_space<hbm>>, %arg5: memref<64xi32, #tpu.memory_space<vmem>>, %arg6: memref<64xi32, #tpu.memory_space<vmem>>, %arg7: memref<64x1024xf32, #tpu.memory_space<vmem>>, %arg8: memref<!tpu.dma_semaphore, #tpu.memory_space<semaphore_mem>>) attributes {dimension_semantics = [#tpu.dimension_semantics<core_parallel>, #tpu.dimension_semantics<subcore_parallel>], iteration_bounds = array<i64: 2, 16>, scalar_prefetch = 0 : i64, scratch_operands = 4 : i64, tpu.core_type = #tpu.core_type<sc_vector_subcore>, window_params = [{transform_indices = #map}, {transform_indices = #map1}, {transform_indices = #map}]} {
    %mul3A = arith.constant 2 : i32
    %mul3A_0 = arith.muli %arg1, %mul3A : i32
    %add3A = arith.addi %mul3A_0, %arg0 : i32
    %mul3A_1 = arith.constant 64 : i32
    %mul3A_2 = arith.muli %add3A, %mul3A_1 : i32
    "tpu.region"() ({
      %run_scoped3A = tpu.sem_alloc : memref<!tpu.dma_semaphore, #tpu.memory_space<semaphore_mem>>
      %dma_start3A_15 = arith.constant 0 : i32
      %dma_start3A_16 = tpu.memref_slice %arg2[%mul3A_2, %dma_start3A_15] : memref<2048x1024xf32, #tpu.memory_space<hbm>> -> memref<64x1024xf32, #tpu.memory_space<hbm>>
      %dma_start3A_17 = arith.constant 0 : i32
      %dma_start3A_18 = tpu.memref_slice %arg2[%mul3A_2, %dma_start3A_17] : memref<2048x1024xf32, #tpu.memory_space<hbm>> -> memref<64x1024xf32, #tpu.memory_space<hbm>>
      tpu.enqueue_dma source(%dma_start3A_18 : memref<64x1024xf32, #tpu.memory_space<hbm>>) target(%arg7 : memref<64x1024xf32, #tpu.memory_space<vmem>>) target_semaphore(%run_scoped3A : memref<!tpu.dma_semaphore, #tpu.memory_space<semaphore_mem>>)
      %dma_wait3A_19 = arith.constant 0 : i32
      %dma_wait3A_20 = tpu.memref_slice %arg2[%mul3A_2, %dma_wait3A_19] : memref<2048x1024xf32, #tpu.memory_space<hbm>> -> memref<64x1024xf32, #tpu.memory_space<hbm>>
      %dma_wait3A_21 = arith.constant 0 : i32
      %dma_wait3A_22 = tpu.memref_slice %arg2[%mul3A_2, %dma_wait3A_21] : memref<2048x1024xf32, #tpu.memory_space<hbm>> -> memref<64x1024xf32, #tpu.memory_space<hbm>>
      tpu.wait_dma2 semaphore(%run_scoped3A : memref<!tpu.dma_semaphore, #tpu.memory_space<semaphore_mem>>) src(%dma_wait3A_22 : memref<64x1024xf32, #tpu.memory_space<hbm>>) dst(%arg7 : memref<64x1024xf32, #tpu.memory_space<vmem>>)
      tpu.yield
    }) : () -> ()
    "tpu.region"() ({
      %run_scoped3A = tpu.sem_alloc : memref<!tpu.dma_semaphore, #tpu.memory_space<semaphore_mem>>
      %dma_start3A_15 = tpu.memref_slice %arg3[%mul3A_2] : memref<4096xi32, #tpu.memory_space<hbm>> -> memref<64xi32, #tpu.memory_space<hbm>>
      %dma_start3A_16 = tpu.memref_slice %arg3[%mul3A_2] : memref<4096xi32, #tpu.memory_space<hbm>> -> memref<64xi32, #tpu.memory_space<hbm>>
      tpu.enqueue_dma source(%dma_start3A_16 : memref<64xi32, #tpu.memory_space<hbm>>) target(%arg5 : memref<64xi32, #tpu.memory_space<vmem>>) target_semaphore(%run_scoped3A : memref<!tpu.dma_semaphore, #tpu.memory_space<semaphore_mem>>)
      %dma_wait3A_17 = tpu.memref_slice %arg3[%mul3A_2] : memref<4096xi32, #tpu.memory_space<hbm>> -> memref<64xi32, #tpu.memory_space<hbm>>
      %dma_wait3A_18 = tpu.memref_slice %arg3[%mul3A_2] : memref<4096xi32, #tpu.memory_space<hbm>> -> memref<64xi32, #tpu.memory_space<hbm>>
      tpu.wait_dma2 semaphore(%run_scoped3A : memref<!tpu.dma_semaphore, #tpu.memory_space<semaphore_mem>>) src(%dma_wait3A_18 : memref<64xi32, #tpu.memory_space<hbm>>) dst(%arg5 : memref<64xi32, #tpu.memory_space<vmem>>)
      tpu.yield
    }) : () -> ()
    %add3A_3 = arith.constant 2048 : i32
    %add3A_4 = arith.addi %add3A_3, %mul3A_2 : i32
    "tpu.region"() ({
      %run_scoped3A = tpu.sem_alloc : memref<!tpu.dma_semaphore, #tpu.memory_space<semaphore_mem>>
      %dma_start3A_15 = tpu.memref_slice %arg3[%add3A_4] : memref<4096xi32, #tpu.memory_space<hbm>> -> memref<64xi32, #tpu.memory_space<hbm>>
      %dma_start3A_16 = tpu.memref_slice %arg3[%add3A_4] : memref<4096xi32, #tpu.memory_space<hbm>> -> memref<64xi32, #tpu.memory_space<hbm>>
      tpu.enqueue_dma source(%dma_start3A_16 : memref<64xi32, #tpu.memory_space<hbm>>) target(%arg6 : memref<64xi32, #tpu.memory_space<vmem>>) target_semaphore(%run_scoped3A : memref<!tpu.dma_semaphore, #tpu.memory_space<semaphore_mem>>)
      %dma_wait3A_17 = tpu.memref_slice %arg3[%add3A_4] : memref<4096xi32, #tpu.memory_space<hbm>> -> memref<64xi32, #tpu.memory_space<hbm>>
      %dma_wait3A_18 = tpu.memref_slice %arg3[%add3A_4] : memref<4096xi32, #tpu.memory_space<hbm>> -> memref<64xi32, #tpu.memory_space<hbm>>
      tpu.wait_dma2 semaphore(%run_scoped3A : memref<!tpu.dma_semaphore, #tpu.memory_space<semaphore_mem>>) src(%dma_wait3A_18 : memref<64xi32, #tpu.memory_space<hbm>>) dst(%arg6 : memref<64xi32, #tpu.memory_space<vmem>>)
      tpu.yield
    }) : () -> ()
    %dma_start3A = arith.constant 0 : i32
    %dma_start3A_5 = arith.constant 0 : i32
    %dma_start3A_6 = tpu.memref_slice %arg4[%dma_start3A, %dma_start3A_5] : memref<8192x1024xf32, #tpu.memory_space<hbm>> -> memref<8192x1024xf32, #tpu.memory_space<hbm>>
    tpu.enqueue_indirect_dma source(%arg7 : memref<64x1024xf32, #tpu.memory_space<vmem>>) target(%dma_start3A_6 : memref<8192x1024xf32, #tpu.memory_space<hbm>>) offsets(%arg5 : memref<64xi32, #tpu.memory_space<vmem>>) semaphore(%arg8 : memref<!tpu.dma_semaphore, #tpu.memory_space<semaphore_mem>>)
    %dma_start3A_7 = arith.constant 0 : i32
    %dma_start3A_8 = arith.constant 0 : i32
    %dma_start3A_9 = tpu.memref_slice %arg4[%dma_start3A_7, %dma_start3A_8] : memref<8192x1024xf32, #tpu.memory_space<hbm>> -> memref<8192x1024xf32, #tpu.memory_space<hbm>>
    tpu.enqueue_indirect_dma source(%arg7 : memref<64x1024xf32, #tpu.memory_space<vmem>>) target(%dma_start3A_9 : memref<8192x1024xf32, #tpu.memory_space<hbm>>) offsets(%arg6 : memref<64xi32, #tpu.memory_space<vmem>>) semaphore(%arg8 : memref<!tpu.dma_semaphore, #tpu.memory_space<semaphore_mem>>)
    %dma_wait3A = arith.constant 0 : i32
    %dma_wait3A_10 = arith.constant 0 : i32
    %dma_wait3A_11 = tpu.memref_slice %arg4[%dma_wait3A, %dma_wait3A_10] : memref<8192x1024xf32, #tpu.memory_space<hbm>> -> memref<8192x1024xf32, #tpu.memory_space<hbm>>
    tpu.wait_indirect_dma semaphore(%arg8 : memref<!tpu.dma_semaphore, #tpu.memory_space<semaphore_mem>>) src(%arg7 : memref<64x1024xf32, #tpu.memory_space<vmem>>) dst(%dma_wait3A_11 : memref<8192x1024xf32, #tpu.memory_space<hbm>>)
    %dma_wait3A_12 = arith.constant 0 : i32
    %dma_wait3A_13 = arith.constant 0 : i32
    %dma_wait3A_14 = tpu.memref_slice %arg4[%dma_wait3A_12, %dma_wait3A_13] : memref<8192x1024xf32, #tpu.memory_space<hbm>> -> memref<8192x1024xf32, #tpu.memory_space<hbm>>
    tpu.wait_indirect_dma semaphore(%arg8 : memref<!tpu.dma_semaphore, #tpu.memory_space<semaphore_mem>>) src(%arg7 : memref<64x1024xf32, #tpu.memory_space<vmem>>) dst(%dma_wait3A_14 : memref<8192x1024xf32, #tpu.memory_space<hbm>>)
    return
  }
}

module attributes {stable_mosaic.version = 14 : i64} {
  func.func @_routing_kernel(%arg0: memref<2048x1024xf32, #tpu.memory_space<vmem>>, %arg1: memref<1024x8xf32, #tpu.memory_space<vmem>>, %arg2: memref<1x1xf32, #tpu.memory_space<vmem>>, %arg3: memref<2048x128xf32, #tpu.memory_space<vmem>>, %arg4: memref<4096x1xi32, #tpu.memory_space<vmem>>, %arg5: memref<16x1xi32, #tpu.memory_space<vmem>>, %arg6: memref<1x1xi32, #tpu.memory_space<vmem>>) attributes {dimension_semantics = [], scalar_prefetch = 0 : i64, scratch_operands = 0 : i64, tpu.core_type = #tpu.core_type<tc>} {
    %get3A = arith.constant 0 : index
    %get3A_0 = arith.constant 0 : index
    %get3A_1 = vector.load %arg0[%get3A, %get3A_0] : memref<2048x1024xf32, #tpu.memory_space<vmem>>, vector<2048x1024xf32>
    %get3A_2 = arith.constant 0 : index
    %get3A_3 = arith.constant 0 : index
    %get3A_4 = vector.load %arg1[%get3A_2, %get3A_3] : memref<1024x8xf32, #tpu.memory_space<vmem>>, vector<1024x8xf32>
    %dot_general3A = arith.constant dense<0.000000e+00> : vector<2048x8xf32>
    %dot_general3A_5 = tpu.matmul %get3A_1, %get3A_4, %dot_general3A {dimension_numbers = #tpu.dot_dimension_numbers<[1], [0], [0], [1], [0, 0, 1, 1], [], []>, transpose_lhs_hint = false} : vector<2048x1024xf32>, vector<1024x8xf32>, vector<2048x8xf32> -> vector<2048x8xf32>
    %iota3A = tpu.iota {dimensions = array<i32: 1>} : vector<2048x8xi32>
    %reduce_max3A = arith.constant dense<0xFF800000> : vector<2048xf32>
    %reduce_max3A_6 = vector.multi_reduction <maximumf>, %dot_general3A_5, %reduce_max3A [1] : vector<2048x8xf32> to vector<2048xf32>
    %broadcast_in_dim3A = vector.shape_cast %reduce_max3A_6 : vector<2048xf32> to vector<2048x1xf32>
    %eq3A = vector.broadcast %broadcast_in_dim3A : vector<2048x1xf32> to vector<2048x8xf32>
    %eq3A_7 = arith.cmpf oeq, %dot_general3A_5, %eq3A : vector<2048x8xf32>
    %jit3A = arith.constant 8 : i32
    %broadcast_in_dim3A_8 = vector.broadcast %jit3A : i32 to vector<2048x8xi32>
    %select_n3A = arith.select %eq3A_7, %iota3A, %broadcast_in_dim3A_8 : vector<2048x8xi1>, vector<2048x8xi32>
    %reduce_min3A = arith.constant dense<2147483647> : vector<2048xi32>
    %reduce_min3A_9 = vector.multi_reduction <minsi>, %select_n3A, %reduce_min3A [1] : vector<2048x8xi32> to vector<2048xi32>
    %broadcast_in_dim3A_10 = vector.shape_cast %reduce_min3A_9 : vector<2048xi32> to vector<2048x1xi32>
    %eq3A_11 = vector.broadcast %broadcast_in_dim3A_10 : vector<2048x1xi32> to vector<2048x8xi32>
    %eq3A_12 = arith.cmpi eq, %iota3A, %eq3A_11 : vector<2048x8xi32>
    %jit3A_13 = arith.constant 0xFF800000 : f32
    %broadcast_in_dim3A_14 = vector.broadcast %jit3A_13 : f32 to vector<2048x8xf32>
    %select_n3A_15 = arith.select %eq3A_12, %broadcast_in_dim3A_14, %dot_general3A_5 : vector<2048x8xi1>, vector<2048x8xf32>
    %reduce_max3A_16 = arith.constant dense<0xFF800000> : vector<2048xf32>
    %reduce_max3A_17 = vector.multi_reduction <maximumf>, %select_n3A_15, %reduce_max3A_16 [1] : vector<2048x8xf32> to vector<2048xf32>
    %broadcast_in_dim3A_18 = vector.shape_cast %reduce_max3A_17 : vector<2048xf32> to vector<2048x1xf32>
    %eq3A_19 = vector.broadcast %broadcast_in_dim3A_18 : vector<2048x1xf32> to vector<2048x8xf32>
    %eq3A_20 = arith.cmpf oeq, %select_n3A_15, %eq3A_19 : vector<2048x8xf32>
    %jit3A_21 = arith.constant 8 : i32
    %broadcast_in_dim3A_22 = vector.broadcast %jit3A_21 : i32 to vector<2048x8xi32>
    %select_n3A_23 = arith.select %eq3A_20, %iota3A, %broadcast_in_dim3A_22 : vector<2048x8xi1>, vector<2048x8xi32>
    %reduce_min3A_24 = arith.constant dense<2147483647> : vector<2048xi32>
    %reduce_min3A_25 = vector.multi_reduction <minsi>, %select_n3A_23, %reduce_min3A_24 [1] : vector<2048x8xi32> to vector<2048xi32>
    %broadcast_in_dim3A_26 = vector.shape_cast %reduce_min3A_25 : vector<2048xi32> to vector<2048x1xi32>
    %sub3A = arith.subf %broadcast_in_dim3A_18, %broadcast_in_dim3A : vector<2048x1xf32>
    %exp3A = math.exp %sub3A : vector<2048x1xf32>
    %add3A = arith.constant 1.000000e+00 : f32
    %add3A_27 = vector.broadcast %add3A : f32 to vector<2048x1xf32>
    %add3A_28 = arith.addf %add3A_27, %exp3A : vector<2048x1xf32>
    %div3A = arith.constant 1.000000e+00 : f32
    %div3A_29 = vector.broadcast %div3A : f32 to vector<2048x1xf32>
    %div3A_30 = arith.divf %div3A_29, %add3A_28 : vector<2048x1xf32>
    %div3A_31 = arith.divf %exp3A, %add3A_28 : vector<2048x1xf32>
    %eq3A_32 = vector.broadcast %broadcast_in_dim3A_10 : vector<2048x1xi32> to vector<2048x8xi32>
    %eq3A_33 = arith.cmpi eq, %iota3A, %eq3A_32 : vector<2048x8xi32>
    %convert_element_type3A = arith.extui %eq3A_33 : vector<2048x8xi1> to vector<2048x8xi32>
    %convert_element_type3A_34 = arith.sitofp %convert_element_type3A : vector<2048x8xi32> to vector<2048x8xf32>
    %eq3A_35 = vector.broadcast %broadcast_in_dim3A_26 : vector<2048x1xi32> to vector<2048x8xi32>
    %eq3A_36 = arith.cmpi eq, %iota3A, %eq3A_35 : vector<2048x8xi32>
    %convert_element_type3A_37 = arith.extui %eq3A_36 : vector<2048x8xi1> to vector<2048x8xi32>
    %convert_element_type3A_38 = arith.sitofp %convert_element_type3A_37 : vector<2048x8xi32> to vector<2048x8xf32>
    %mul3A = vector.broadcast %div3A_30 : vector<2048x1xf32> to vector<2048x8xf32>
    %mul3A_39 = arith.mulf %convert_element_type3A_34, %mul3A : vector<2048x8xf32>
    %gt3A = arith.constant 0.000000e+00 : f32
    %gt3A_40 = vector.broadcast %gt3A : f32 to vector<2048x1xf32>
    %gt3A_41 = arith.cmpf ogt, %div3A_31, %gt3A_40 : vector<2048x1xf32>
    %mul3A_42 = vector.broadcast %div3A_31 : vector<2048x1xf32> to vector<2048x8xf32>
    %mul3A_43 = arith.mulf %convert_element_type3A_38, %mul3A_42 : vector<2048x8xf32>
    %jit3A_44 = arith.constant 0.000000e+00 : f32
    %broadcast_in_dim3A_45 = vector.shape_cast %gt3A_41 : vector<2048x1xi1> to vector<2048x1xi1>
    %broadcast_in_dim3A_46 = vector.broadcast %broadcast_in_dim3A_45 : vector<2048x1xi1> to vector<2048x8xi1>
    %broadcast_in_dim3A_47 = vector.broadcast %jit3A_44 : f32 to vector<2048x8xf32>
    %select_n3A_48 = arith.select %broadcast_in_dim3A_46, %mul3A_43, %broadcast_in_dim3A_47 : vector<2048x8xi1>, vector<2048x8xf32>
    %add3A_49 = arith.addf %mul3A_39, %select_n3A_48 : vector<2048x8xf32>
    %reduce_sum3A = arith.constant dense<0.000000e+00> : vector<8xf32>
    %reduce_sum3A_50 = vector.multi_reduction <add>, %add3A_49, %reduce_sum3A [0] : vector<2048x8xf32> to vector<8xf32>
    %gt3A_51 = arith.constant 0.000000e+00 : f32
    %gt3A_52 = vector.broadcast %gt3A_51 : f32 to vector<2048x8xf32>
    %gt3A_53 = arith.cmpf ogt, %add3A_49, %gt3A_52 : vector<2048x8xf32>
    %convert_element_type3A_54 = arith.extui %gt3A_53 : vector<2048x8xi1> to vector<2048x8xi32>
    %convert_element_type3A_55 = arith.sitofp %convert_element_type3A_54 : vector<2048x8xi32> to vector<2048x8xf32>
    %reduce_sum3A_56 = arith.constant dense<0.000000e+00> : vector<8xf32>
    %reduce_sum3A_57 = vector.multi_reduction <add>, %convert_element_type3A_55, %reduce_sum3A_56 [0] : vector<2048x8xf32> to vector<8xf32>
    %reduce_sum3A_58 = vector.shape_cast %reduce_sum3A_50 : vector<8xf32> to vector<1x8xf32>
    %reduce_sum3A_59 = arith.constant dense<0.000000e+00> : vector<1xf32>
    %reduce_sum3A_60 = vector.multi_reduction <add>, %reduce_sum3A_58, %reduce_sum3A_59 [1] : vector<1x8xf32> to vector<1xf32>
    %reduce_sum3A_61 = vector.shape_cast %reduce_sum3A_60 : vector<1xf32> to vector<1x1xf32>
    %reduce_sum3A_62 = vector.extract %reduce_sum3A_61[0, 0] : f32 from vector<1x1xf32>
    %div3A_63 = arith.constant 8.000000e+00 : f32
    %div3A_64 = arith.divf %reduce_sum3A_62, %div3A_63 : f32
    %sub3A_65 = vector.broadcast %div3A_64 : f32 to vector<8xf32>
    %sub3A_66 = arith.subf %reduce_sum3A_50, %sub3A_65 : vector<8xf32>
    %integer_pow3A = arith.mulf %sub3A_66, %sub3A_66 : vector<8xf32>
    %reduce_sum3A_67 = vector.shape_cast %integer_pow3A : vector<8xf32> to vector<1x8xf32>
    %reduce_sum3A_68 = arith.constant dense<0.000000e+00> : vector<1xf32>
    %reduce_sum3A_69 = vector.multi_reduction <add>, %reduce_sum3A_67, %reduce_sum3A_68 [1] : vector<1x8xf32> to vector<1xf32>
    %reduce_sum3A_70 = vector.shape_cast %reduce_sum3A_69 : vector<1xf32> to vector<1x1xf32>
    %reduce_sum3A_71 = vector.extract %reduce_sum3A_70[0, 0] : f32 from vector<1x1xf32>
    %div3A_72 = arith.constant 7.000000e+00 : f32
    %div3A_73 = arith.divf %reduce_sum3A_71, %div3A_72 : f32
    %mul3A_74 = arith.mulf %div3A_64, %div3A_64 : f32
    %add3A_75 = arith.constant 1.000000e-10 : f32
    %add3A_76 = arith.addf %mul3A_74, %add3A_75 : f32
    %div3A_77 = arith.divf %div3A_73, %add3A_76 : f32
    %reduce_sum3A_78 = vector.shape_cast %reduce_sum3A_57 : vector<8xf32> to vector<1x8xf32>
    %reduce_sum3A_79 = arith.constant dense<0.000000e+00> : vector<1xf32>
    %reduce_sum3A_80 = vector.multi_reduction <add>, %reduce_sum3A_78, %reduce_sum3A_79 [1] : vector<1x8xf32> to vector<1xf32>
    %reduce_sum3A_81 = vector.shape_cast %reduce_sum3A_80 : vector<1xf32> to vector<1x1xf32>
    %reduce_sum3A_82 = vector.extract %reduce_sum3A_81[0, 0] : f32 from vector<1x1xf32>
    %div3A_83 = arith.constant 8.000000e+00 : f32
    %div3A_84 = arith.divf %reduce_sum3A_82, %div3A_83 : f32
    %sub3A_85 = vector.broadcast %div3A_84 : f32 to vector<8xf32>
    %sub3A_86 = arith.subf %reduce_sum3A_57, %sub3A_85 : vector<8xf32>
    %integer_pow3A_87 = arith.mulf %sub3A_86, %sub3A_86 : vector<8xf32>
    %reduce_sum3A_88 = vector.shape_cast %integer_pow3A_87 : vector<8xf32> to vector<1x8xf32>
    %reduce_sum3A_89 = arith.constant dense<0.000000e+00> : vector<1xf32>
    %reduce_sum3A_90 = vector.multi_reduction <add>, %reduce_sum3A_88, %reduce_sum3A_89 [1] : vector<1x8xf32> to vector<1xf32>
    %reduce_sum3A_91 = vector.shape_cast %reduce_sum3A_90 : vector<1xf32> to vector<1x1xf32>
    %reduce_sum3A_92 = vector.extract %reduce_sum3A_91[0, 0] : f32 from vector<1x1xf32>
    %div3A_93 = arith.constant 7.000000e+00 : f32
    %div3A_94 = arith.divf %reduce_sum3A_92, %div3A_93 : f32
    %mul3A_95 = arith.mulf %div3A_84, %div3A_84 : f32
    %add3A_96 = arith.constant 1.000000e-10 : f32
    %add3A_97 = arith.addf %mul3A_95, %add3A_96 : f32
    %div3A_98 = arith.divf %div3A_94, %add3A_97 : f32
    %add3A_99 = arith.addf %div3A_77, %div3A_98 : f32
    %mul3A_100 = arith.constant 0.00999999977 : f32
    %mul3A_101 = arith.mulf %add3A_99, %mul3A_100 : f32
    %broadcast_in_dim3A_102 = vector.broadcast %mul3A_101 : f32 to vector<1x1xf32>
    %swap3A = arith.constant 0 : index
    %swap3A_103 = arith.constant 0 : index
    %swap3A_104 = vector.load %arg2[%swap3A, %swap3A_103] : memref<1x1xf32, #tpu.memory_space<vmem>>, vector<1x1xf32>
    tpu.vector_store %arg2[%swap3A, %swap3A_103], %broadcast_in_dim3A_102 {strides = array<i32>} : memref<1x1xf32, #tpu.memory_space<vmem>>, vector<1x1xf32>,
    %iota3A_105 = tpu.iota {dimensions = array<i32: 1>} : vector<2048x128xi32>
    %eq3A_106 = arith.constant 0 : i32
    %eq3A_107 = vector.broadcast %eq3A_106 : i32 to vector<2048x128xi32>
    %eq3A_108 = arith.cmpi eq, %iota3A_105, %eq3A_107 : vector<2048x128xi32>
    %eq3A_109 = arith.constant 1 : i32
    %eq3A_110 = vector.broadcast %eq3A_109 : i32 to vector<2048x128xi32>
    %eq3A_111 = arith.cmpi eq, %iota3A_105, %eq3A_110 : vector<2048x128xi32>
    %jit3A_112 = arith.constant 0.000000e+00 : f32
    %broadcast_in_dim3A_113 = vector.shape_cast %div3A_31 : vector<2048x1xf32> to vector<2048x1xf32>
    %broadcast_in_dim3A_114 = vector.broadcast %broadcast_in_dim3A_113 : vector<2048x1xf32> to vector<2048x128xf32>
    %broadcast_in_dim3A_115 = vector.broadcast %jit3A_112 : f32 to vector<2048x128xf32>
    %select_n3A_116 = arith.select %eq3A_111, %broadcast_in_dim3A_114, %broadcast_in_dim3A_115 : vector<2048x128xi1>, vector<2048x128xf32>
    %broadcast_in_dim3A_117 = vector.shape_cast %div3A_30 : vector<2048x1xf32> to vector<2048x1xf32>
    %broadcast_in_dim3A_118 = vector.broadcast %broadcast_in_dim3A_117 : vector<2048x1xf32> to vector<2048x128xf32>
    %select_n3A_119 = arith.select %eq3A_108, %broadcast_in_dim3A_118, %select_n3A_116 : vector<2048x128xi1>, vector<2048x128xf32>
    %swap3A_120 = arith.constant 0 : index
    %swap3A_121 = arith.constant 0 : index
    %swap3A_122 = vector.load %arg3[%swap3A_120, %swap3A_121] : memref<2048x128xf32, #tpu.memory_space<vmem>>, vector<2048x128xf32>
    tpu.vector_store %arg3[%swap3A_120, %swap3A_121], %select_n3A_119 {strides = array<i32>} : memref<2048x128xf32, #tpu.memory_space<vmem>>, vector<2048x128xf32>,
    %concatenate3A = tpu.concatenate %convert_element_type3A_34, %convert_element_type3A_38 in 0 : vector<2048x8xf32>, vector<2048x8xf32> -> vector<4096x8xf32>
    %broadcast_in_dim3A_123 = arith.constant 0.000000e+00 : f32
    %broadcast_in_dim3A_124 = vector.broadcast %broadcast_in_dim3A_123 : f32 to vector<1x8xf32>
    %slice3A = vector.extract_strided_slice %concatenate3A {offsets = [0, 0], sizes = [4095, 8], strides = [1, 1]} : vector<4096x8xf32> to vector<4095x8xf32>
    %concatenate3A_125 = tpu.concatenate %broadcast_in_dim3A_124, %slice3A in 0 : vector<1x8xf32>, vector<4095x8xf32> -> vector<4096x8xf32>
    %add3A_126 = arith.addf %concatenate3A, %concatenate3A_125 : vector<4096x8xf32>
    %broadcast_in_dim3A_127 = arith.constant 0.000000e+00 : f32
    %broadcast_in_dim3A_128 = vector.broadcast %broadcast_in_dim3A_127 : f32 to vector<2x8xf32>
    %slice3A_129 = vector.extract_strided_slice %add3A_126 {offsets = [0, 0], sizes = [4094, 8], strides = [1, 1]} : vector<4096x8xf32> to vector<4094x8xf32>
    %concatenate3A_130 = tpu.concatenate %broadcast_in_dim3A_128, %slice3A_129 in 0 : vector<2x8xf32>, vector<4094x8xf32> -> vector<4096x8xf32>
    %add3A_131 = arith.addf %add3A_126, %concatenate3A_130 : vector<4096x8xf32>
    %broadcast_in_dim3A_132 = arith.constant 0.000000e+00 : f32
    %broadcast_in_dim3A_133 = vector.broadcast %broadcast_in_dim3A_132 : f32 to vector<4x8xf32>
    %slice3A_134 = vector.extract_strided_slice %add3A_131 {offsets = [0, 0], sizes = [4092, 8], strides = [1, 1]} : vector<4096x8xf32> to vector<4092x8xf32>
    %concatenate3A_135 = tpu.concatenate %broadcast_in_dim3A_133, %slice3A_134 in 0 : vector<4x8xf32>, vector<4092x8xf32> -> vector<4096x8xf32>
    %add3A_136 = arith.addf %add3A_131, %concatenate3A_135 : vector<4096x8xf32>
    %broadcast_in_dim3A_137 = arith.constant 0.000000e+00 : f32
    %broadcast_in_dim3A_138 = vector.broadcast %broadcast_in_dim3A_137 : f32 to vector<8x8xf32>
    %slice3A_139 = vector.extract_strided_slice %add3A_136 {offsets = [0, 0], sizes = [4088, 8], strides = [1, 1]} : vector<4096x8xf32> to vector<4088x8xf32>
    %concatenate3A_140 = tpu.concatenate %broadcast_in_dim3A_138, %slice3A_139 in 0 : vector<8x8xf32>, vector<4088x8xf32> -> vector<4096x8xf32>
    %add3A_141 = arith.addf %add3A_136, %concatenate3A_140 : vector<4096x8xf32>
    %broadcast_in_dim3A_142 = arith.constant 0.000000e+00 : f32
    %broadcast_in_dim3A_143 = vector.broadcast %broadcast_in_dim3A_142 : f32 to vector<16x8xf32>
    %slice3A_144 = vector.extract_strided_slice %add3A_141 {offsets = [0, 0], sizes = [4080, 8], strides = [1, 1]} : vector<4096x8xf32> to vector<4080x8xf32>
    %concatenate3A_145 = tpu.concatenate %broadcast_in_dim3A_143, %slice3A_144 in 0 : vector<16x8xf32>, vector<4080x8xf32> -> vector<4096x8xf32>
    %add3A_146 = arith.addf %add3A_141, %concatenate3A_145 : vector<4096x8xf32>
    %broadcast_in_dim3A_147 = arith.constant 0.000000e+00 : f32
    %broadcast_in_dim3A_148 = vector.broadcast %broadcast_in_dim3A_147 : f32 to vector<32x8xf32>
    %slice3A_149 = vector.extract_strided_slice %add3A_146 {offsets = [0, 0], sizes = [4064, 8], strides = [1, 1]} : vector<4096x8xf32> to vector<4064x8xf32>
    %concatenate3A_150 = tpu.concatenate %broadcast_in_dim3A_148, %slice3A_149 in 0 : vector<32x8xf32>, vector<4064x8xf32> -> vector<4096x8xf32>
    %add3A_151 = arith.addf %add3A_146, %concatenate3A_150 : vector<4096x8xf32>
    %broadcast_in_dim3A_152 = arith.constant 0.000000e+00 : f32
    %broadcast_in_dim3A_153 = vector.broadcast %broadcast_in_dim3A_152 : f32 to vector<64x8xf32>
    %slice3A_154 = vector.extract_strided_slice %add3A_151 {offsets = [0, 0], sizes = [4032, 8], strides = [1, 1]} : vector<4096x8xf32> to vector<4032x8xf32>
    %concatenate3A_155 = tpu.concatenate %broadcast_in_dim3A_153, %slice3A_154 in 0 : vector<64x8xf32>, vector<4032x8xf32> -> vector<4096x8xf32>
    %add3A_156 = arith.addf %add3A_151, %concatenate3A_155 : vector<4096x8xf32>
    %broadcast_in_dim3A_157 = arith.constant 0.000000e+00 : f32
    %broadcast_in_dim3A_158 = vector.broadcast %broadcast_in_dim3A_157 : f32 to vector<128x8xf32>
    %slice3A_159 = vector.extract_strided_slice %add3A_156 {offsets = [0, 0], sizes = [3968, 8], strides = [1, 1]} : vector<4096x8xf32> to vector<3968x8xf32>
    %concatenate3A_160 = tpu.concatenate %broadcast_in_dim3A_158, %slice3A_159 in 0 : vector<128x8xf32>, vector<3968x8xf32> -> vector<4096x8xf32>
    %add3A_161 = arith.addf %add3A_156, %concatenate3A_160 : vector<4096x8xf32>
    %broadcast_in_dim3A_162 = arith.constant 0.000000e+00 : f32
    %broadcast_in_dim3A_163 = vector.broadcast %broadcast_in_dim3A_162 : f32 to vector<256x8xf32>
    %slice3A_164 = vector.extract_strided_slice %add3A_161 {offsets = [0, 0], sizes = [3840, 8], strides = [1, 1]} : vector<4096x8xf32> to vector<3840x8xf32>
    %concatenate3A_165 = tpu.concatenate %broadcast_in_dim3A_163, %slice3A_164 in 0 : vector<256x8xf32>, vector<3840x8xf32> -> vector<4096x8xf32>
    %add3A_166 = arith.addf %add3A_161, %concatenate3A_165 : vector<4096x8xf32>
    %broadcast_in_dim3A_167 = arith.constant 0.000000e+00 : f32
    %broadcast_in_dim3A_168 = vector.broadcast %broadcast_in_dim3A_167 : f32 to vector<512x8xf32>
    %slice3A_169 = vector.extract_strided_slice %add3A_166 {offsets = [0, 0], sizes = [3584, 8], strides = [1, 1]} : vector<4096x8xf32> to vector<3584x8xf32>
    %concatenate3A_170 = tpu.concatenate %broadcast_in_dim3A_168, %slice3A_169 in 0 : vector<512x8xf32>, vector<3584x8xf32> -> vector<4096x8xf32>
    %add3A_171 = arith.addf %add3A_166, %concatenate3A_170 : vector<4096x8xf32>
    %broadcast_in_dim3A_172 = arith.constant 0.000000e+00 : f32
    %broadcast_in_dim3A_173 = vector.broadcast %broadcast_in_dim3A_172 : f32 to vector<1024x8xf32>
    %slice3A_174 = vector.extract_strided_slice %add3A_171 {offsets = [0, 0], sizes = [3072, 8], strides = [1, 1]} : vector<4096x8xf32> to vector<3072x8xf32>
    %concatenate3A_175 = tpu.concatenate %broadcast_in_dim3A_173, %slice3A_174 in 0 : vector<1024x8xf32>, vector<3072x8xf32> -> vector<4096x8xf32>
    %add3A_176 = arith.addf %add3A_171, %concatenate3A_175 : vector<4096x8xf32>
    %broadcast_in_dim3A_177 = arith.constant 0.000000e+00 : f32
    %broadcast_in_dim3A_178 = vector.broadcast %broadcast_in_dim3A_177 : f32 to vector<2048x8xf32>
    %slice3A_179 = vector.extract_strided_slice %add3A_176 {offsets = [0, 0], sizes = [2048, 8], strides = [1, 1]} : vector<4096x8xf32> to vector<2048x8xf32>
    %concatenate3A_180 = tpu.concatenate %broadcast_in_dim3A_178, %slice3A_179 in 0 : vector<2048x8xf32>, vector<2048x8xf32> -> vector<4096x8xf32>
    %add3A_181 = arith.addf %add3A_176, %concatenate3A_180 : vector<4096x8xf32>
    %slice3A_182 = vector.extract_strided_slice %add3A_181 {offsets = [4095, 0], sizes = [1, 8], strides = [1, 1]} : vector<4096x8xf32> to vector<1x8xf32>
    %div3A_183 = arith.constant 5.120000e+02 : f32
    %div3A_184 = vector.broadcast %div3A_183 : f32 to vector<1x8xf32>
    %div3A_185 = arith.divf %slice3A_182, %div3A_184 : vector<1x8xf32>
    %ceil3A = math.ceil %div3A_185 : vector<1x8xf32>
    %mul3A_186 = arith.constant 5.120000e+02 : f32
    %mul3A_187 = vector.broadcast %mul3A_186 : f32 to vector<1x8xf32>
    %mul3A_188 = arith.mulf %ceil3A, %mul3A_187 : vector<1x8xf32>
    %iota3A_189 = tpu.iota {dimensions = array<i32: 0>} : vector<8x8xi32>
    %iota3A_190 = tpu.iota {dimensions = array<i32: 1>} : vector<8x8xi32>
    %lt3A = arith.cmpi slt, %iota3A_189, %iota3A_190 : vector<8x8xi32>
    %convert_element_type3A_191 = arith.extui %lt3A : vector<8x8xi1> to vector<8x8xi32>
    %convert_element_type3A_192 = arith.sitofp %convert_element_type3A_191 : vector<8x8xi32> to vector<8x8xf32>
    %dot_general3A_193 = arith.constant dense<0.000000e+00> : vector<1x8xf32>
    %dot_general3A_194 = tpu.matmul %mul3A_188, %convert_element_type3A_192, %dot_general3A_193 {dimension_numbers = #tpu.dot_dimension_numbers<[1], [0], [0], [1], [0, 0, 1, 1], [], []>, transpose_lhs_hint = false} : vector<1x8xf32>, vector<8x8xf32>, vector<1x8xf32> -> vector<1x8xf32>
    %concatenate3A_195 = tpu.concatenate %convert_element_type3A_34, %convert_element_type3A_38 in 0 : vector<2048x8xf32>, vector<2048x8xf32> -> vector<4096x8xf32>
    %add3A_196 = vector.broadcast %dot_general3A_194 : vector<1x8xf32> to vector<4096x8xf32>
    %add3A_197 = arith.addf %add3A_196, %add3A_181 : vector<4096x8xf32>
    %sub3A_198 = arith.constant 1.000000e+00 : f32
    %sub3A_199 = vector.broadcast %sub3A_198 : f32 to vector<4096x8xf32>
    %sub3A_200 = arith.subf %add3A_197, %sub3A_199 : vector<4096x8xf32>
    %mul3A_201 = arith.mulf %concatenate3A_195, %sub3A_200 : vector<4096x8xf32>
    %reduce_sum3A_202 = arith.constant dense<0.000000e+00> : vector<4096xf32>
    %reduce_sum3A_203 = vector.multi_reduction <add>, %mul3A_201, %reduce_sum3A_202 [1] : vector<4096x8xf32> to vector<4096xf32>
    %broadcast_in_dim3A_204 = vector.shape_cast %reduce_sum3A_203 : vector<4096xf32> to vector<4096x1xf32>
    %convert_element_type3A_205 = arith.fptosi %broadcast_in_dim3A_204 : vector<4096x1xf32> to vector<4096x1xi32>
    %swap3A_206 = arith.constant 0 : index
    %swap3A_207 = arith.constant 0 : index
    %swap3A_208 = vector.load %arg4[%swap3A_206, %swap3A_207] : memref<4096x1xi32, #tpu.memory_space<vmem>>, vector<4096x1xi32>
    tpu.vector_store %arg4[%swap3A_206, %swap3A_207], %convert_element_type3A_205 {strides = array<i32>} : memref<4096x1xi32, #tpu.memory_space<vmem>>, vector<4096x1xi32>,
    %add3A_209 = arith.addf %dot_general3A_194, %mul3A_188 : vector<1x8xf32>
    %iota3A_210 = tpu.iota {dimensions = array<i32: 0>} : vector<16x1xi32>
    %convert_element_type3A_211 = arith.sitofp %iota3A_210 : vector<16x1xi32> to vector<16x1xf32>
    %mul3A_212 = arith.constant 5.120000e+02 : f32
    %mul3A_213 = vector.broadcast %mul3A_212 : f32 to vector<16x1xf32>
    %mul3A_214 = arith.mulf %convert_element_type3A_211, %mul3A_213 : vector<16x1xf32>
    %ge3A = vector.broadcast %mul3A_214 : vector<16x1xf32> to vector<16x8xf32>
    %ge3A_215 = vector.broadcast %add3A_209 : vector<1x8xf32> to vector<16x8xf32>
    %ge3A_216 = arith.cmpf oge, %ge3A, %ge3A_215 : vector<16x8xf32>
    %convert_element_type3A_217 = arith.extui %ge3A_216 : vector<16x8xi1> to vector<16x8xi32>
    %convert_element_type3A_218 = arith.sitofp %convert_element_type3A_217 : vector<16x8xi32> to vector<16x8xf32>
    %reduce_sum3A_219 = arith.constant dense<0.000000e+00> : vector<16xf32>
    %reduce_sum3A_220 = vector.multi_reduction <add>, %convert_element_type3A_218, %reduce_sum3A_219 [1] : vector<16x8xf32> to vector<16xf32>
    %broadcast_in_dim3A_221 = vector.shape_cast %reduce_sum3A_220 : vector<16xf32> to vector<16x1xf32>
    %min3A = arith.constant 7.000000e+00 : f32
    %min3A_222 = vector.broadcast %min3A : f32 to vector<16x1xf32>
    %min3A_223 = arith.minimumf %broadcast_in_dim3A_221, %min3A_222 : vector<16x1xf32>
    %convert_element_type3A_224 = arith.fptosi %min3A_223 : vector<16x1xf32> to vector<16x1xi32>
    %swap3A_225 = arith.constant 0 : index
    %swap3A_226 = arith.constant 0 : index
    %swap3A_227 = vector.load %arg5[%swap3A_225, %swap3A_226] : memref<16x1xi32, #tpu.memory_space<vmem>>, vector<16x1xi32>
    tpu.vector_store %arg5[%swap3A_225, %swap3A_226], %convert_element_type3A_224 {strides = array<i32>} : memref<16x1xi32, #tpu.memory_space<vmem>>, vector<16x1xi32>,
    %reduce_sum3A_228 = vector.shape_cast %mul3A_188 : vector<1x8xf32> to vector<1x1x8xf32>
    %reduce_sum3A_229 = arith.constant dense<0.000000e+00> : vector<1xf32>
    %reduce_sum3A_230 = vector.multi_reduction <add>, %reduce_sum3A_228, %reduce_sum3A_229 [1, 2] : vector<1x1x8xf32> to vector<1xf32>
    %reduce_sum3A_231 = vector.shape_cast %reduce_sum3A_230 : vector<1xf32> to vector<1x1x1xf32>
    %reduce_sum3A_232 = vector.extract %reduce_sum3A_231[0, 0, 0] : f32 from vector<1x1x1xf32>
    %div3A_233 = arith.constant 5.120000e+02 : f32
    %div3A_234 = arith.divf %reduce_sum3A_232, %div3A_233 : f32
    %convert_element_type3A_235 = arith.fptosi %div3A_234 : f32 to i32
    %broadcast_in_dim3A_236 = vector.broadcast %convert_element_type3A_235 : i32 to vector<1x1xi32>
    %swap3A_237 = arith.constant 0 : index
    %swap3A_238 = arith.constant 0 : index
    %swap3A_239 = vector.load %arg6[%swap3A_237, %swap3A_238] : memref<1x1xi32, #tpu.memory_space<vmem>>, vector<1x1xi32>
    tpu.vector_store %arg6[%swap3A_237, %swap3A_238], %broadcast_in_dim3A_236 {strides = array<i32>} : memref<1x1xi32, #tpu.memory_space<vmem>>, vector<1x1xi32>,
    return
  }
}

module attributes {stable_mosaic.version = 14 : i64} {
  func.func @_expert_kernel(%arg0: i32, %arg1: i32, %arg2: memref<16xi32, #tpu.memory_space<smem>>, %arg3: memref<1xi32, #tpu.memory_space<smem>>, %arg4: memref<512x1024xf32, #tpu.memory_space<vmem>>, %arg5: memref<1x1024x1024xf32, #tpu.memory_space<vmem>>, %arg6: memref<1x1x1024xf32, #tpu.memory_space<vmem>>, %arg7: memref<1x1024x1024xf32, #tpu.memory_space<vmem>>, %arg8: memref<1x1x1024xf32, #tpu.memory_space<vmem>>, %arg9: memref<8192x1024xf32, #tpu.memory_space<any>>, %arg10: memref<8192x1024xf32, #tpu.memory_space<vmem>>, %arg11: memref<!tpu.dma_semaphore, #tpu.memory_space<semaphore_mem>>) attributes {dimension_semantics = [#tpu.dimension_semantics<arbitrary>, #tpu.dimension_semantics<arbitrary>], iteration_bounds = array<i64: 4, 16>, scalar_prefetch = 2 : i64, scratch_operands = 2 : i64, tpu.core_type = #tpu.core_type<tc>, window_params = [{transform_indices = @transform_0, window_bounds = array<i64: 512, 1024>}, {transform_indices = @transform_1, window_bounds = array<i64: 1, 1024, 1024>}, {transform_indices = @transform_2, window_bounds = array<i64: 1, 1, 1024>}, {transform_indices = @transform_3, window_bounds = array<i64: 1, 1024, 1024>}, {transform_indices = @transform_4, window_bounds = array<i64: 1, 1, 1024>}, {}]} {
    %get3A = arith.constant 0 : index
    %get3A_0 = memref.load %arg3[%get3A] : memref<1xi32, #tpu.memory_space<smem>>
    %lt3A = arith.cmpi slt, %arg1, %get3A_0 : i32
    %convert_element_type3A = arith.extui %lt3A : i1 to i32
    %cond3A = arith.constant 0 : i32
    %cond3A_1 = arith.cmpi ne, %convert_element_type3A, %cond3A : i32
    scf.if %cond3A_1 {
      %mul3A = arith.constant 512 : i32
      %mul3A_8 = arith.muli %arg1, %mul3A : i32
      %get3A_9 = arith.constant 0 : index
      %get3A_10 = arith.constant 0 : index
      %get3A_11 = vector.load %arg4[%get3A_9, %get3A_10] : memref<512x1024xf32, #tpu.memory_space<vmem>>, vector<512x1024xf32>
      %get3A_12 = arith.constant 0 : index
      %get3A_13 = arith.constant 0 : index
      %get3A_14 = arith.constant 0 : index
      %get3A_15 = vector.load %arg5[%get3A_12, %get3A_13, %get3A_14] : memref<1x1024x1024xf32, #tpu.memory_space<vmem>>, vector<1x1024x1024xf32>
      %get3A_16 = vector.shape_cast %get3A_15 : vector<1x1024x1024xf32> to vector<1024x1024xf32>
      %dot_general3A = arith.constant dense<0.000000e+00> : vector<512x1024xf32>
      %dot_general3A_17 = tpu.matmul %get3A_11, %get3A_16, %dot_general3A {dimension_numbers = #tpu.dot_dimension_numbers<[1], [0], [0], [1], [0, 0, 1, 1], [], []>, transpose_lhs_hint = false} : vector<512x1024xf32>, vector<1024x1024xf32>, vector<512x1024xf32> -> vector<512x1024xf32>
      %get3A_18 = arith.constant 0 : index
      %get3A_19 = arith.constant 0 : index
      %get3A_20 = arith.constant 0 : index
      %get3A_21 = vector.load %arg6[%get3A_18, %get3A_19, %get3A_20] : memref<1x1x1024xf32, #tpu.memory_space<vmem>>, vector<1x1x1024xf32>
      %get3A_22 = vector.shape_cast %get3A_21 : vector<1x1x1024xf32> to vector<1x1024xf32>
      %add3A = vector.broadcast %get3A_22 : vector<1x1024xf32> to vector<512x1024xf32>
      %add3A_23 = arith.addf %dot_general3A_17, %add3A : vector<512x1024xf32>
      %max3A = arith.constant 0.000000e+00 : f32
      %max3A_24 = vector.broadcast %max3A : f32 to vector<512x1024xf32>
      %max3A_25 = arith.maximumf %add3A_23, %max3A_24 : vector<512x1024xf32>
      %get3A_26 = arith.constant 0 : index
      %get3A_27 = arith.constant 0 : index
      %get3A_28 = arith.constant 0 : index
      %get3A_29 = vector.load %arg7[%get3A_26, %get3A_27, %get3A_28] : memref<1x1024x1024xf32, #tpu.memory_space<vmem>>, vector<1x1024x1024xf32>
      %get3A_30 = vector.shape_cast %get3A_29 : vector<1x1024x1024xf32> to vector<1024x1024xf32>
      %dot_general3A_31 = arith.constant dense<0.000000e+00> : vector<512x1024xf32>
      %dot_general3A_32 = tpu.matmul %max3A_25, %get3A_30, %dot_general3A_31 {dimension_numbers = #tpu.dot_dimension_numbers<[1], [0], [0], [1], [0, 0, 1, 1], [], []>, transpose_lhs_hint = false} : vector<512x1024xf32>, vector<1024x1024xf32>, vector<512x1024xf32> -> vector<512x1024xf32>
      %eq3A_33 = arith.constant 0 : i32
      %eq3A_34 = arith.cmpi eq, %arg0, %eq3A_33 : i32
      %convert_element_type3A_35 = arith.extui %eq3A_34 : i1 to i32
      %cond3A_36 = arith.constant 0 : i32
      %cond3A_37 = arith.cmpi ne, %convert_element_type3A_35, %cond3A_36 : i32
      scf.if %cond3A_37 {
        %swap3A = arith.index_cast %mul3A_8 : i32 to index
        %swap3A_47 = arith.constant 0 : index
        %swap3A_48 = vector.load %arg10[%swap3A, %swap3A_47] : memref<8192x1024xf32, #tpu.memory_space<vmem>>, vector<512x1024xf32>
        tpu.vector_store %arg10[%swap3A, %swap3A_47], %dot_general3A_32 {strides = array<i32>} : memref<8192x1024xf32, #tpu.memory_space<vmem>>, vector<512x1024xf32>,
      } else {
      }
      %gt3A = arith.constant 0 : i32
      %gt3A_38 = arith.cmpi sgt, %arg0, %gt3A : i32
      %convert_element_type3A_39 = arith.extui %gt3A_38 : i1 to i32
      %cond3A_40 = arith.constant 0 : i32
      %cond3A_41 = arith.cmpi ne, %convert_element_type3A_39, %cond3A_40 : i32
      scf.if %cond3A_41 {
        %get3A_47 = arith.index_cast %mul3A_8 : i32 to index
        %get3A_48 = arith.constant 0 : index
        %get3A_49 = vector.load %arg10[%get3A_47, %get3A_48] : memref<8192x1024xf32, #tpu.memory_space<vmem>>, vector<512x1024xf32>
        %add3A_50 = arith.addf %get3A_49, %dot_general3A_32 : vector<512x1024xf32>
        %swap3A = arith.index_cast %mul3A_8 : i32 to index
        %swap3A_51 = arith.constant 0 : index
        %swap3A_52 = vector.load %arg10[%swap3A, %swap3A_51] : memref<8192x1024xf32, #tpu.memory_space<vmem>>, vector<512x1024xf32>
        tpu.vector_store %arg10[%swap3A, %swap3A_51], %add3A_50 {strides = array<i32>} : memref<8192x1024xf32, #tpu.memory_space<vmem>>, vector<512x1024xf32>,
      } else {
      }
      %eq3A_42 = arith.constant 3 : i32
      %eq3A_43 = arith.cmpi eq, %arg0, %eq3A_42 : i32
      %convert_element_type3A_44 = arith.extui %eq3A_43 : i1 to i32
      %cond3A_45 = arith.constant 0 : i32
      %cond3A_46 = arith.cmpi ne, %convert_element_type3A_44, %cond3A_45 : i32
      scf.if %cond3A_46 {
        %get3A_47 = arith.index_cast %mul3A_8 : i32 to index
        %get3A_48 = arith.constant 0 : index
        %get3A_49 = vector.load %arg10[%get3A_47, %get3A_48] : memref<8192x1024xf32, #tpu.memory_space<vmem>>, vector<512x1024xf32>
        %get3A_50 = arith.constant 0 : index
        %get3A_51 = arith.constant 0 : index
        %get3A_52 = arith.constant 0 : index
        %get3A_53 = vector.load %arg8[%get3A_50, %get3A_51, %get3A_52] : memref<1x1x1024xf32, #tpu.memory_space<vmem>>, vector<1x1x1024xf32>
        %get3A_54 = vector.shape_cast %get3A_53 : vector<1x1x1024xf32> to vector<1x1024xf32>
        %add3A_55 = vector.broadcast %get3A_54 : vector<1x1024xf32> to vector<512x1024xf32>
        %add3A_56 = arith.addf %get3A_49, %add3A_55 : vector<512x1024xf32>
        %exp3A = math.exp %add3A_56 : vector<512x1024xf32>
        %swap3A = arith.index_cast %mul3A_8 : i32 to index
        %swap3A_57 = arith.constant 0 : index
        %swap3A_58 = vector.load %arg10[%swap3A, %swap3A_57] : memref<8192x1024xf32, #tpu.memory_space<vmem>>, vector<512x1024xf32>
        tpu.vector_store %arg10[%swap3A, %swap3A_57], %exp3A {strides = array<i32>} : memref<8192x1024xf32, #tpu.memory_space<vmem>>, vector<512x1024xf32>,
        %gt3A_59 = arith.constant 0 : i32
        %gt3A_60 = arith.cmpi sgt, %arg1, %gt3A_59 : i32
        %convert_element_type3A_61 = arith.extui %gt3A_60 : i1 to i32
        %cond3A_62 = arith.constant 0 : i32
        %cond3A_63 = arith.cmpi ne, %convert_element_type3A_61, %cond3A_62 : i32
        scf.if %cond3A_63 {
          %sub3A = arith.constant 1 : i32
          %sub3A_67 = arith.subi %arg1, %sub3A : i32
          %mul3A_68 = arith.constant 512 : i32
          %mul3A_69 = arith.muli %sub3A_67, %mul3A_68 : i32
          %dma_wait3A = arith.constant 0 : i32
          %dma_wait3A_70 = tpu.memref_slice %arg9[%mul3A_69, %dma_wait3A] : memref<8192x1024xf32, #tpu.memory_space<any>> -> memref<512x1024xf32, #tpu.memory_space<any>>
          %dma_wait3A_71 = arith.constant 0 : i32
          %dma_wait3A_72 = tpu.memref_slice %arg10[%mul3A_69, %dma_wait3A_71] : memref<8192x1024xf32, #tpu.memory_space<vmem>> -> memref<512x1024xf32, #tpu.memory_space<vmem>>
          tpu.wait_dma2 semaphore(%arg11 : memref<!tpu.dma_semaphore, #tpu.memory_space<semaphore_mem>>) src(%dma_wait3A_72 : memref<512x1024xf32, #tpu.memory_space<vmem>>) dst(%dma_wait3A_70 : memref<512x1024xf32, #tpu.memory_space<any>>)
        } else {
        }
        %dma_start3A = arith.constant 0 : i32
        %dma_start3A_64 = tpu.memref_slice %arg9[%mul3A_8, %dma_start3A] : memref<8192x1024xf32, #tpu.memory_space<any>> -> memref<512x1024xf32, #tpu.memory_space<any>>
        %dma_start3A_65 = arith.constant 0 : i32
        %dma_start3A_66 = tpu.memref_slice %arg10[%mul3A_8, %dma_start3A_65] : memref<8192x1024xf32, #tpu.memory_space<vmem>> -> memref<512x1024xf32, #tpu.memory_space<vmem>>
        tpu.enqueue_dma source(%dma_start3A_66 : memref<512x1024xf32, #tpu.memory_space<vmem>>) target(%dma_start3A_64 : memref<512x1024xf32, #tpu.memory_space<any>>) target_semaphore(%arg11 : memref<!tpu.dma_semaphore, #tpu.memory_space<semaphore_mem>>)
      } else {
      }
    } else {
    }
    %eq3A = arith.constant 3 : i32
    %eq3A_2 = arith.cmpi eq, %arg0, %eq3A : i32
    %eq3A_3 = arith.constant 15 : i32
    %eq3A_4 = arith.cmpi eq, %arg1, %eq3A_3 : i32
    %and3A = arith.andi %eq3A_2, %eq3A_4 : i1
    %convert_element_type3A_5 = arith.extui %and3A : i1 to i32
    %cond3A_6 = arith.constant 0 : i32
    %cond3A_7 = arith.cmpi ne, %convert_element_type3A_5, %cond3A_6 : i32
    scf.if %cond3A_7 {
      %get3A_8 = arith.constant 0 : index
      %get3A_9 = memref.load %arg3[%get3A_8] : memref<1xi32, #tpu.memory_space<smem>>
      %sub3A = arith.constant 1 : i32
      %sub3A_10 = arith.subi %get3A_9, %sub3A : i32
      %mul3A = arith.constant 512 : i32
      %mul3A_11 = arith.muli %sub3A_10, %mul3A : i32
      %dma_wait3A = arith.constant 0 : i32
      %dma_wait3A_12 = tpu.memref_slice %arg9[%mul3A_11, %dma_wait3A] : memref<8192x1024xf32, #tpu.memory_space<any>> -> memref<512x1024xf32, #tpu.memory_space<any>>
      %dma_wait3A_13 = arith.constant 0 : i32
      %dma_wait3A_14 = tpu.memref_slice %arg10[%mul3A_11, %dma_wait3A_13] : memref<8192x1024xf32, #tpu.memory_space<vmem>> -> memref<512x1024xf32, #tpu.memory_space<vmem>>
      tpu.wait_dma2 semaphore(%arg11 : memref<!tpu.dma_semaphore, #tpu.memory_space<semaphore_mem>>) src(%dma_wait3A_14 : memref<512x1024xf32, #tpu.memory_space<vmem>>) dst(%dma_wait3A_12 : memref<512x1024xf32, #tpu.memory_space<any>>)
    } else {
    }
    return
  }
  func.func @transform_0(%arg0: i32, %arg1: i32, %arg2: memref<16xi32, #tpu.memory_space<smem>>, %arg3: memref<1xi32, #tpu.memory_space<smem>>) -> (i32, i32) {
    %c0_i32 = arith.constant 0 : i32
    %c0_i32_0 = arith.constant 0 : i32
    return %arg1, %c0_i32 : i32, i32
  }
  func.func @transform_1(%arg0: i32, %arg1: i32, %arg2: memref<16xi32, #tpu.memory_space<smem>>, %arg3: memref<1xi32, #tpu.memory_space<smem>>) -> (i32, i32, i32) {
    %get3A = arith.index_cast %arg1 : i32 to index
    %get3A_0 = memref.load %arg2[%get3A] : memref<16xi32, #tpu.memory_space<smem>>
    %c0_i32 = arith.constant 0 : i32
    %c0_i32_1 = arith.constant 0 : i32
    return %get3A_0, %c0_i32, %arg0 : i32, i32, i32
  }
  func.func @transform_2(%arg0: i32, %arg1: i32, %arg2: memref<16xi32, #tpu.memory_space<smem>>, %arg3: memref<1xi32, #tpu.memory_space<smem>>) -> (i32, i32, i32) {
    %get3A = arith.index_cast %arg1 : i32 to index
    %get3A_0 = memref.load %arg2[%get3A] : memref<16xi32, #tpu.memory_space<smem>>
    %c0_i32 = arith.constant 0 : i32
    %c0_i32_1 = arith.constant 0 : i32
    return %get3A_0, %c0_i32, %arg0 : i32, i32, i32
  }
  func.func @transform_3(%arg0: i32, %arg1: i32, %arg2: memref<16xi32, #tpu.memory_space<smem>>, %arg3: memref<1xi32, #tpu.memory_space<smem>>) -> (i32, i32, i32) {
    %get3A = arith.index_cast %arg1 : i32 to index
    %get3A_0 = memref.load %arg2[%get3A] : memref<16xi32, #tpu.memory_space<smem>>
    %c0_i32 = arith.constant 0 : i32
    %c0_i32_1 = arith.constant 0 : i32
    return %get3A_0, %arg0, %c0_i32 : i32, i32, i32
  }
  func.func @transform_4(%arg0: i32, %arg1: i32, %arg2: memref<16xi32, #tpu.memory_space<smem>>, %arg3: memref<1xi32, #tpu.memory_space<smem>>) -> (i32, i32, i32) {
    %get3A = arith.index_cast %arg1 : i32 to index
    %get3A_0 = memref.load %arg2[%get3A] : memref<16xi32, #tpu.memory_space<smem>>
    %c0_i32 = arith.constant 0 : i32
    %c0_i32_1 = arith.constant 0 : i32
    %c0_i32_2 = arith.constant 0 : i32
    return %get3A_0, %c0_i32, %c0_i32_1 : i32, i32, i32
  }
}

module attributes {stable_mosaic.version = 14 : i64} {
  func.func @_finalize_kernel(%arg0: i32, %arg1: memref<2x512x1024xf32, #tpu.memory_space<vmem>>, %arg2: memref<512x128xf32, #tpu.memory_space<vmem>>, %arg3: memref<512x1024xf32, #tpu.memory_space<vmem>>) attributes {dimension_semantics = [#tpu.dimension_semantics<arbitrary>], iteration_bounds = array<i64: 4>, scalar_prefetch = 0 : i64, scratch_operands = 0 : i64, tpu.core_type = #tpu.core_type<tc>, window_params = [{transform_indices = @transform_0, window_bounds = array<i64: 2, 512, 1024>}, {transform_indices = @transform_1, window_bounds = array<i64: 512, 128>}, {transform_indices = @transform_2, window_bounds = array<i64: 512, 1024>}]} {
    %get3A = arith.constant 0 : index
    %get3A_0 = arith.constant 0 : index
    %get3A_1 = arith.constant 0 : index
    %get3A_2 = vector.load %arg1[%get3A, %get3A_0, %get3A_1] : memref<2x512x1024xf32, #tpu.memory_space<vmem>>, vector<1x512x1024xf32>
    %get3A_3 = vector.shape_cast %get3A_2 : vector<1x512x1024xf32> to vector<512x1024xf32>
    %get3A_4 = arith.constant 1 : index
    %get3A_5 = arith.constant 0 : index
    %get3A_6 = arith.constant 0 : index
    %get3A_7 = vector.load %arg1[%get3A_4, %get3A_5, %get3A_6] : memref<2x512x1024xf32, #tpu.memory_space<vmem>>, vector<1x512x1024xf32>
    %get3A_8 = vector.shape_cast %get3A_7 : vector<1x512x1024xf32> to vector<512x1024xf32>
    %get3A_9 = arith.constant 0 : index
    %get3A_10 = arith.constant 0 : index
    %get3A_11 = vector.load %arg2[%get3A_9, %get3A_10] : memref<512x128xf32, #tpu.memory_space<vmem>>, vector<512x1xf32>
    %get3A_12 = arith.constant 0 : index
    %get3A_13 = arith.constant 1 : index
    %get3A_14 = vector.load %arg2[%get3A_12, %get3A_13] : memref<512x128xf32, #tpu.memory_space<vmem>>, vector<512x1xf32>
    %gt3A = arith.constant 0.000000e+00 : f32
    %gt3A_15 = vector.broadcast %gt3A : f32 to vector<512x1xf32>
    %gt3A_16 = arith.cmpf ogt, %get3A_11, %gt3A_15 : vector<512x1xf32>
    %mul3A = vector.broadcast %get3A_11 : vector<512x1xf32> to vector<512x1024xf32>
    %mul3A_17 = arith.mulf %mul3A, %get3A_3 : vector<512x1024xf32>
    %jit3A = arith.constant 0.000000e+00 : f32
    %broadcast_in_dim3A = vector.shape_cast %gt3A_16 : vector<512x1xi1> to vector<512x1xi1>
    %broadcast_in_dim3A_18 = vector.broadcast %broadcast_in_dim3A : vector<512x1xi1> to vector<512x1024xi1>
    %broadcast_in_dim3A_19 = vector.broadcast %jit3A : f32 to vector<512x1024xf32>
    %select_n3A = arith.select %broadcast_in_dim3A_18, %mul3A_17, %broadcast_in_dim3A_19 : vector<512x1024xi1>, vector<512x1024xf32>
    %gt3A_20 = arith.constant 0.000000e+00 : f32
    %gt3A_21 = vector.broadcast %gt3A_20 : f32 to vector<512x1xf32>
    %gt3A_22 = arith.cmpf ogt, %get3A_14, %gt3A_21 : vector<512x1xf32>
    %mul3A_23 = vector.broadcast %get3A_14 : vector<512x1xf32> to vector<512x1024xf32>
    %mul3A_24 = arith.mulf %mul3A_23, %get3A_8 : vector<512x1024xf32>
    %jit3A_25 = arith.constant 0.000000e+00 : f32
    %broadcast_in_dim3A_26 = vector.shape_cast %gt3A_22 : vector<512x1xi1> to vector<512x1xi1>
    %broadcast_in_dim3A_27 = vector.broadcast %broadcast_in_dim3A_26 : vector<512x1xi1> to vector<512x1024xi1>
    %broadcast_in_dim3A_28 = vector.broadcast %jit3A_25 : f32 to vector<512x1024xf32>
    %select_n3A_29 = arith.select %broadcast_in_dim3A_27, %mul3A_24, %broadcast_in_dim3A_28 : vector<512x1024xi1>, vector<512x1024xf32>
    %add3A = arith.addf %select_n3A, %select_n3A_29 : vector<512x1024xf32>
    %eq3A = arith.constant 0.000000e+00 : f32
    %eq3A_30 = vector.broadcast %eq3A : f32 to vector<512x1024xf32>
    %eq3A_31 = arith.cmpf oeq, %add3A, %eq3A_30 : vector<512x1024xf32>
    %jit3A_32 = arith.constant 2.22044605E-16 : f32
    %broadcast_in_dim3A_33 = vector.broadcast %jit3A_32 : f32 to vector<512x1024xf32>
    %select_n3A_34 = arith.select %eq3A_31, %broadcast_in_dim3A_33, %add3A : vector<512x1024xi1>, vector<512x1024xf32>
    %log3A = math.log %select_n3A_34 : vector<512x1024xf32>
    %swap3A = arith.constant 0 : index
    %swap3A_35 = arith.constant 0 : index
    %swap3A_36 = vector.load %arg3[%swap3A, %swap3A_35] : memref<512x1024xf32, #tpu.memory_space<vmem>>, vector<512x1024xf32>
    tpu.vector_store %arg3[%swap3A, %swap3A_35], %log3A {strides = array<i32>} : memref<512x1024xf32, #tpu.memory_space<vmem>>, vector<512x1024xf32>,
    return
  }
  func.func @transform_0(%arg0: i32) -> (i32, i32, i32) {
    %c0_i32 = arith.constant 0 : i32
    %c0_i32_0 = arith.constant 0 : i32
    %c0_i32_1 = arith.constant 0 : i32
    return %c0_i32, %arg0, %c0_i32_0 : i32, i32, i32
  }
  func.func @transform_1(%arg0: i32) -> (i32, i32) {
    %c0_i32 = arith.constant 0 : i32
    %c0_i32_0 = arith.constant 0 : i32
    return %arg0, %c0_i32 : i32, i32
  }
  func.func @transform_2(%arg0: i32) -> (i32, i32) {
    %c0_i32 = arith.constant 0 : i32
    %c0_i32_0 = arith.constant 0 : i32
    return %arg0, %c0_i32 : i32, i32
  }
}

</mosaic_0001>

<sc_bundles>
// kernel: kernel.10.cloned.1.call-start
scs
__scs_entry_jumppad:
0x0: {  	(pc) =	sbr.rel $0x88, $3  }
0x1: {  	(tag) =	ssettag $0x0;
	lr =	simm.s32 $0x1  }
0x2: {  	[smem:$0x3F9B] =	sst lr;
	_ =	strace $0xD0000000  }
0x3: {  	_ = 	snop  }
0x4: {  	_ = 	snop  }
0x5: {  	_ = 	snop  }
0x6: {  	_ = 	snop  }
0x7: {  	_ = 	snop  }
__scs_overlays_trampoline_lowered:
0x8: {  	[smem:$0x3FAA] =	sst s0  }
0x9: {  	[smem:$0x3FAB] =	sst s1  }
0xa: {  	[smem:$0x3FAC] =	sst s2  }
0xb: {  	[smem:$0x3FAD] =	sst s3  }
0xc: {  	[smem:$0x3FAE] =	sst s4  }
0xd: {  	[smem:$0x3FAF] =	sst s5  }
0xe: {  	[smem:$0x3FB0] =	sst s6  }
0xf: {  	[smem:$0x3FB1] =	sst s7  }
0x10: {  	[smem:$0x3FB2] =	sst s8  }
0x11: {  	[smem:$0x3FB3] =	sst s9;
	s0 =	simm.s32 @!p0 $0x0  }
0x12: {  	s1 =	sld [smem:$0x3F99];
	s0 =	simm.s32 @p0 $0x1  }
0x13: {  	[smem:$0x3FB4] =	sst s0;
	s0 =	simm.s32 @!p1 $0x0  }
0x14: {  	s2 =	sld [smem:$0x3F98];
	s0 =	simm.s32 @p1 $0x1  }
0x15: {  	[smem:$0x3FB5] =	sst s0;
	s0 =	simm.s32 @!p2 $0x0  }
0x16: {  	s3 =	sld [smem:$0x3FDB];
	s0 =	simm.s32 @p2 $0x1  }
0x17: {  	s4 =	simm.s32 $0x1BF5;
	[smem:$0x3FB7] =	sst s0  }
0x18: {  	s0 =	sld [smem:$0x3F9A];
	_ =	swait.ge [sflag:s4], $0x0  }
0x19: {  	s7 =	sld [smem:$0x3F9B]  }
0x1a: {  	s8 =	sadd.s32 $0xFFFFE003, lr  }
0x1b: {  	s9 =	sadd.s32 $0xFFFFFEF7, lr;
	s5 =	simm.s32 $0xFFFFFFFF;
	p2 =	slt.u32 s8, $0xFFFFF086  }
0x1c: {  	p1 =	slt.u32 s9, $0xF7A;
	s5 =	simm.s32 @!p2 $0x0  }
0x1d: {  	s5 =	simm.s32 @p1 $0x1;
	p0 =	seq.s32 s7, s2  }
0x1e: {  	s7 =	smul.u32 @!p0 $0xF7A, s2;
	p2 =	seq.s32 @!p0 s5, $0x0  }
0x1f: {  	s9 =	smul.u32 $0xF7A, s1;
	s8 =	simm.s32 @!p0 $0x1BF5;
	p2 =	por !p2, p0  }
0x20: {  	[sflag:s8] =	ssyncset.s32 @!p0 $0xFFFFF086;
	s6 =	sadd.s32 @!p0 s3, s7;
	s7 =	simm.s32 @!p0 $0x108  }
0x21: {  	s3 =	sadd.s32 s3, s9;
	s6 =	sadd.s32 @!p0 $0x88, s6;
	s7 =	simm.s32 @p2 $0x1082  }
0x22: {  	[simem:s7], [sflag:s8] =	dma.local @!p0 [hbm:s6], $0xF7A  }
0x23: {  	s9 =	sor.u32 $0xD0000000, s2;
	s6 =	simm.s32 $0x108;
	_ =	swait.ge @!p0 [sflag:s8], $0x0  }
0x24: {  	s3 =	sadd.s32 $0x88, s3;
	s6 =	simm.s32 @!p1 $0x1082;
	[sflag:s4] =	ssyncset.s32 $0xFFFFF086  }
0x25: {  	[simem:s6], [sflag:s4] =	dma.local [hbm:s3], $0xF7A  }
0x26: {  	[smem:$0x3F9B] =	sst s1;
	(tag) =	ssettag s2;
	_ =	strace s9  }
0x27: {  	s1 =	sld [smem:$0x3FAB]  }
0x28: {  	s2 =	sld [smem:$0x3FAC]  }
0x29: {  	s4 =	sld [smem:$0x3FAE]  }
0x2a: {  	p0 =	seq.s32 s5, $0x0;
	s5 =	sld [smem:$0x3FAF]  }
0x2b: {  	s6 =	sld [smem:$0x3FB0]  }
0x2c: {  	s7 =	sld [smem:$0x3FB1]  }
0x2d: {  	s3 =	simm.s32 $0x108;
	s8 =	sld [smem:$0x3FB2]  }
0x2e: {  	s3 =	simm.s32 @!p0 $0x1082;
	s9 =	sld [smem:$0x3FB3]  }
0x2f: {  	lr =	sadd.s32 s0, s3;
	s0 =	sld [smem:$0x3FAA]  }
0x30: {  	s3 =	sld [smem:$0x3FAD]  }
0x31: {  	[smem:$0x3FB6] =	sst s10  }
0x32: {  	s10 =	sld [smem:$0x3FB4];
	_ =	sdelay $0x3  }
0x33: {  	p0 =	seq.s32 s10, $0x1;
	s10 =	sld [smem:$0x3FB6];
	_ =	sdelay $0x3  }
0x34: {  	[smem:$0x3FB6] =	sst s10  }
0x35: {  	s10 =	sld [smem:$0x3FB5];
	_ =	sdelay $0x3  }
0x36: {  	p1 =	seq.s32 s10, $0x1;
	s10 =	sld [smem:$0x3FB6];
	_ =	sdelay $0x3  }
0x37: {  	[smem:$0x3FB6] =	sst s10  }
0x38: {  	s10 =	sld [smem:$0x3FB7]  }
0x39: {  	_ = 	snop;
	(pc) =	sbr.ind lr, $3  }
0x3a: {  	_ = 	snop  }
0x3b: {  	_ = 	snop  }
0x3c: {  	p2 =	seq.s32 s10, $0x1;
	s10 =	sld [smem:$0x3FB6]  }
0x3d: {  	_ =	shalt  }
0x3e: {  	_ =	shalt  }
0x3f: {  	_ =	shalt  }
0x40: {  	_ =	shalt  }
0x41: {  	_ =	shalt  }
0x42: {  	_ =	shalt  }
0x43: {  	_ =	shalt  }
0x44: {  	_ =	shalt  }
0x45: {  	_ =	shalt  }
0x46: {  	_ =	shalt  }
0x47: {  	_ =	shalt  }
0x48: {  	_ =	shalt  }
0x49: {  	_ =	shalt  }
0x4a: {  	_ =	shalt  }
0x4b: {  	_ =	shalt  }
0x4c: {  	_ =	shalt  }
0x4d: {  	_ =	shalt  }
0x4e: {  	_ =	shalt  }
0x4f: {  	_ =	shalt  }
0x50: {  	_ =	shalt  }
0x51: {  	_ =	shalt  }
0x52: {  	_ =	shalt  }
0x53: {  	_ =	shalt  }
0x54: {  	_ =	shalt  }
0x55: {  	_ =	shalt  }
0x56: {  	_ =	shalt  }
0x57: {  	_ =	shalt  }
0x58: {  	_ =	shalt  }
0x59: {  	_ =	shalt  }
0x5a: {  	_ =	shalt  }
0x5b: {  	_ =	shalt  }
0x5c: {  	_ =	shalt  }
0x5d: {  	_ =	shalt  }
0x5e: {  	_ =	shalt  }
0x5f: {  	_ =	shalt  }
0x60: {  	_ =	shalt  }
0x61: {  	_ =	shalt  }
0x62: {  	_ =	shalt  }
0x63: {  	_ =	shalt  }
0x64: {  	_ =	shalt  }
0x65: {  	_ =	shalt  }
0x66: {  	_ =	shalt  }
0x67: {  	_ =	shalt  }
0x68: {  	_ =	shalt  }
0x69: {  	_ =	shalt  }
0x6a: {  	_ =	shalt  }
0x6b: {  	_ =	shalt  }
0x6c: {  	_ =	shalt  }
0x6d: {  	_ =	shalt  }
0x6e: {  	_ =	shalt  }
0x6f: {  	_ =	shalt  }
0x70: {  	_ =	shalt  }
0x71: {  	_ =	shalt  }
0x72: {  	_ =	shalt  }
0x73: {  	_ =	shalt  }
0x74: {  	_ =	shalt  }
0x75: {  	_ =	shalt  }
0x76: {  	_ =	shalt  }
0x77: {  	_ =	shalt  }
0x78: {  	_ =	shalt  }
0x79: {  	_ =	shalt  }
0x7a: {  	_ =	shalt  }
0x7b: {  	_ =	shalt  }
0x7c: {  	_ =	shalt  }
0x7d: {  	_ =	shalt  }
0x7e: {  	_ =	shalt  }
0x7f: {  	_ =	shalt  }
0x80: {  	_ =	shalt  }
0x81: {  	_ =	shalt  }
0x82: {  	_ =	shalt  }
0x83: {  	_ =	shalt  }
0x84: {  	_ =	shalt  }
0x85: {  	_ =	shalt  }
0x86: {  	_ =	shalt  }
0x87: {  	_ =	shalt  }
.Lfunc_end0:
.L_simem_size_0:
called_computation.1_lowered:
.L_overlay_start_0:
0x88: {  	s2 =	sld [smem:$0x3FD9]  }
0x89: {  	s3 =	sld [smem:$0x3FFE];
	_ =	sdelay $0x1  }
0x8a: {  	s1 =	srdreg.scid  }
0x8b: {  	s0 =	sand.u32 $0x1, s1  }
0x8c: {  	s16 =	sshll.u32 s0, $0xA;
	s2 =	sadd.s32 s3, s2  }
0x8d: {  	s2 =	sadd.s32 s2, s16  }
0x8e: {  	[smem:$0x3FC2] =	sst s2  }
0x8f: {  	_ = 	snop  }
0x90: {  	(tm) =	ssettm $0x1  }
0x91: {  	s17 =	sld [smem:$0x3FFB];
	_ =	sdelay $0x3  }
0x92: {  	_ =	strace s17  }
0x93: {  	s2 =	sld [smem:$0x3FFC];
	_ =	sdelay $0x3  }
0x94: {  	_ =	strace s2  }
0x95: {  	s2 =	sld [smem:$0x3FFD];
	_ =	sdelay $0x3  }
0x96: {  	_ =	strace s2  }
0x97: {  	_ =	strace $0x8FFFFFFF  }
0x98: {  	s18 =	sld [smem:$0x3FDB];
	_ =	sdelay $0x1  }
0x99: {  	s19 =	simm.s32 $_scs_section_size  }
0x9a: {  	s4 =	simm.s32 $_size__tile_overlayer_lowered;
	s5 =	simm.s32 $_tile_overlayer_lowered  }
0x9b: {  	s22 =	simm.s32 $0x1BFF;
	s21 =	sshll.u32 s5, $0x1;
	s2 =	sadd.s32 s19, s18  }
0x9c: {  	s6 =	simm.s32 $0x0;
	s20 =	sshll.u32 s4, $0x1;
	s4 =	sadd.s32 s21, s2  }
0x9d: {  	[timem:s6], [sflag:s22] =	dma.local [hbm:s4], s20  }
0x9e: {  	_ =	swait.ge [sflag:s22], s20  }
0x9f: {  	s3 =	ssub.s32 $0x0, s20;
	[sflag:s22] =	ssyncset.done $0x0  }
0xa0: {  	[sflag:s22] =	ssyncadd.s32 s3;
	_ =	sdelay $0x1  }
0xa1: {  	s23 =	simm.s32 $0x1B8B  }
0xa2: {  	_ =	swait.ge [sflag:s23], $0x1  }
0xa3: {  	[sflag:s23] =	ssyncset.done $0x0  }
0xa4: {  	s25 =	simm.s32 $0x1B8E;
	s24 =	sld [smem:$0x3FFE];
	[sflag:s23] =	ssyncadd.s32 $0xFFFFFFFF  }
0xa5: {  	s26 =	simm.s32 $execute0_lowered;
	[smem:$0x3FD2] =	sst s25  }
0xa6: {  	s4 =	sshll.u32 s26, $0x1;
	_ =	strace $0x80000049;
	[dreg:$0x1] =	wrdreg $0xFFFFFFFF  }
0xa7: {  	s28 =	simm.s32 $_size_execute0_lowered;
	s2 =	sadd.s32 s2, s4;
	[dreg:$0x0] =	wrdreg $0x0  }
0xa8: {  	s4 =	sshll.u32 s28, $0x1;
	[dreg:$0x2] =	wrdreg s2  }
0xa9: {  	[dreg:$0x3] =	wrdreg s4  }
0xaa: {  	[dreg:$0x4] =	wrdreg $0xC0  }
0xab: {  	_ =	task [dreg:s6], $0x5FFFF  }
0xac: {  	[dreg:$0x1] =	wrdreg $0xFFFFFFFF  }
0xad: {  	[dreg:$0x0] =	wrdreg $0x60  }
0xae: {  	[dreg:$0x2] =	wrdreg s24  }
0xaf: {  	[dreg:$0x3] =	wrdreg $0x9  }
0xb0: {  	_ =	task.clear_ibuf [dreg:s6], $0x4FFFF;
	_ =	strace $0x90000049  }
0xb1: {  	s29 =	simm.s32 $0x9;
	_ =	strace $0x8000004B  }
0xb2: {  	_ =	swait.ge [sflag:s29], $0x1  }
0xb3: {  	[sflag:s29] =	ssyncadd.s32 $0xFFFFFFFF  }
0xb4: {  	_ =	strace $0x9000004B  }
0xb5: {  	_ =	sfence  }
0xb6: {  	s30 =	sld [smem:$0x0];
	_ =	sdelay $0x2  }
0xb7: {  	s31 =	sshll.u32 s1, $0xD;
	s1 =	sshrl.u32 s1, $0x2  }
0xb8: {  	s3 =	sand.u32 $0x4000, s31;
	s1 =	sadd.s32 s1, s30  }
0xb9: {  	s0 =	sor.u32 s3, s0;
	s1 =	sshll.u32 s1, $0x11  }
0xba: {  	s0 =	sor.u32 s1, s0  }
0xbb: {  	s0 =	sadd.s32 $0x8F2B, s0  }
0xbc: {  	[sflag:s0] =	ssyncadd.remote.s32 $0x1  }
0xbd: {  	_ =	sfence.sel $0xFFFF  }
0xbe: {  	[dreg:$0x0] =	wrdreg $0xFFFFFFFF;
	(pc) =	sbr.abs _section_cstart, $3  }
0xbf: {  	[dreg:$0x1] =	wrdreg $0xFFFFFFFF  }
0xc0: {  	_ =	task.clear_ibuf [dreg:s6], $0x2FFFF;
	_ =	strace $0x9FFFFFFF  }
0xc1: {  	(tm) =	ssettm $0x7FFFFFFF  }
tec
execute0_lowered:
.L_overlay_start_1:
0x0: {  	(tag) =	ssettag $0x1  }
0x1: {  	s0 =	rddreg [dreg:$0x0]  }
0x2: {  	s2 =	simm.s32 $0x0;
	s1 =	srdreg.scid;
	s4 =	stileid.u32  }
0x3: {  	s28 =	simm.s32 $0x3100;
	s29 =	simm.s32 $0x3900;
	s30 =	simm.s32 $0x4100  }
0x4: {  	s31 =	simm.s32 $0x4900;
	s11 =	simm.s32 $0x6900;
	s12 =	simm.s32 $0x7100  }
0x5: {  	s13 =	simm.s32 $0x7900;
	s14 =	simm.s32 $0x80;
	s15 =	simm.s32 $0x8900  }
0x6: {  	[smem:$0x7FF] =	sst s2;
	s1 =	sand.u32 $0x1, s1;
	s3 =	sadd.s32 $0x102600, s0  }
0x7: {  	s4 =	sshll.u32 s4, $0x8;
	s6 =	sadd.s32 $0xE00, s0;
	s5 =	sshll.u32 s1, $0x7  }
0x8: {  	s7 =	sadd.s32 $0x1000, s0;
	s1 =	ssub.s32 $0x2, s1;
	s4 =	sor.u32 s5, s4  }
0x9: {  	_ =	strace $0x8000004A;
	s9 =	sshrl.u32 s1, $0x1;
	s5 =	sshrl.u32 s4, $0x3  }
0xa: {  	s8 =	sor.u32 $0x20, s4;
	s17 =	sshll.u32 s4, $0x7;
	s19 =	sor.u32 $0x40, s4  }
0xb: {  	s1 =	ssub.s32 s1, s9;
	s4 =	sor.u32 $0x60, s4;
	s9 =	simm.s32 $0x5100  }
0xc: {  	s5 =	sadd.s32 s6, s5;
	s10 =	sshrl.u32 s8, $0x3;
	s18 =	sadd.s32 s7, s17  }
0xd: {  	s20 =	sshrl.u32 s19, $0x3;
	s8 =	sshll.u32 s8, $0x7;
	s22 =	sshrl.u32 s4, $0x3  }
0xe: {  	s24 =	sshll.u32 s19, $0x7;
	s26 =	sshll.u32 s4, $0x7;
	s4 =	sadd.s32 $0x102700, s0  }
0xf: {  	s19 =	simm.s32 $0x1;
	s17 =	simm.s32 $0x9900;
	[dreg:$0x2] =	wrdreg s5  }
0x10: {  	s16 =	sadd.s32 s6, s10;
	[dreg:$0x4] =	wrdreg s18;
	s5 =	sadd.s32 s6, s20  }
0x11: {  	s21 =	sadd.s32 s7, s8;
	s23 =	sadd.s32 s6, s22;
	[dreg:$0x3] =	wrdreg s16  }
0x12: {  	s25 =	sadd.s32 s7, s24;
	s7 =	sadd.s32 s7, s26;
	[dreg:$0x5] =	wrdreg s5  }
0x13: {  	s6 =	sadd.s32 $0x102900, s0;
	s8 =	simm.s32 $0x2;
	[dreg:$0x6] =	wrdreg s21  }
0x14: {  	s26 =	simm.s32 $0x100;
	s22 =	simm.s32 $0x1100;
	[dreg:$0x7] =	wrdreg s23  }
0x15: {  	s24 =	simm.s32 $0x2100;
	s10 =	simm.s32 $0x6100;
	[dreg:$0x8] =	wrdreg s25  }
0x16: {  	v2 =	vlaneseq.u32;
	s18 =	simm.s32 $0xA100;
	s5 =	sadd.s32 $0x102800, s0;
	[dreg:$0x9] =	wrdreg s7  }
0x17: {  	vm0 =	vmmov $0xffff;
	v1 =	vshrl.u32 v2, $0x3;
	s7 =	smax.u32 s1, $0x1;
	s21 =	simm.s32 $0x900;
	s23 =	simm.s32 $0x1900  }
0x18: {  	v0 =	vand.u32 $0x7, v2;
	v2 =	vor.u32 $0x8, v2;
	v1 =	vmul.u32 $0x8, v1;
	s25 =	simm.s32 $0x2900;
	s0 =	simm.s32 $0x8100;
	s16 =	simm.s32 $0x9100  }
.LBB2_1:
0x19: {  	s20 =	rddreg [dreg:$0x2]  }
0x1a: {  	[tilespmem:s2], [sflag:$0x2] =	stream.linear.gather [hbm4b:s20+s2], $0x20, $0x38;
	[tilespmem:$0x10100] =	vst v63  }
0x1b: {  	_ =	swait.ge [sflag:s8], $0x20  }
0x1c: {  	[sflag:s8] =	ssyncset.done $0x0  }
0x1d: {  	[sflag:s8] =	ssyncadd.s32 $0xFFFFFFE0  }
0x1e: {  	v3 =	vld [tilespmem:$0x0];
	_ =	sdelay $0x4  }
0x1f: {  	v4 =	vshll.u32 v3, $0x3  }
0x20: {  	v3 =	vand.u32 $0x7, v3;
	v4 =	vand.u32 $0xFFFFFFC0, v4  }
0x21: {  	v3 =	vor.u32 v3, v4  }
0x22: {  	v4 =	vperm.xlane v3, v0;
	_ =	sdelay $0x1  }
0x23: {  	v4 =	vadd.s32 v1, v4;
	_ =	sdelay $0x4  }
0x24: {  	[tilespmem:s26], [sflag:$0x1] =	stream.indirect_vreg.gather [hbm4b:s3+s2], $0x80, v4, vm0, $0xb8;
	[tilespmem:$0x10100] =	vst v63  }
0x25: {  	v3 =	vperm.xlane v3, v2  }
0x26: {  	[tilespmem:s21], [sflag:$0x1] =	stream.indirect_vreg.gather [hbm4b:s4+s2], $0x80, v4, vm0, $0xb8;
	[tilespmem:$0x10100] =	vst v63  }
0x27: {  	v3 =	vadd.s32 v1, v3  }
0x28: {  	[tilespmem:s22], [sflag:$0x1] =	stream.indirect_vreg.gather [hbm4b:s5+s2], $0x80, v4, vm0, $0xb8;
	[tilespmem:$0x10100] =	vst v63  }
0x29: {  	_ = 	snop  }
0x2a: {  	[tilespmem:s23], [sflag:$0x1] =	stream.indirect_vreg.gather [hbm4b:s6+s2], $0x80, v4, vm0, $0xb8;
	[tilespmem:$0x10100] =	vst v63  }
0x2b: {  	_ = 	snop  }
0x2c: {  	[tilespmem:s24], [sflag:$0x1] =	stream.indirect_vreg.gather [hbm4b:s3+s2], $0x80, v3, vm0, $0xb8;
	[tilespmem:$0x10100] =	vst v63  }
0x2d: {  	_ = 	snop  }
0x2e: {  	[tilespmem:s25], [sflag:$0x1] =	stream.indirect_vreg.gather [hbm4b:s4+s2], $0x80, v3, vm0, $0xb8;
	[tilespmem:$0x10100] =	vst v63  }
0x2f: {  	_ = 	snop  }
0x30: {  	[tilespmem:s28], [sflag:$0x1] =	stream.indirect_vreg.gather [hbm4b:s5+s2], $0x80, v3, vm0, $0xb8;
	[tilespmem:$0x10100] =	vst v63  }
0x31: {  	_ = 	snop  }
0x32: {  	[tilespmem:s29], [sflag:$0x1] =	stream.indirect_vreg.gather [hbm4b:s6+s2], $0x80, v3, vm0, $0xb8;
	[tilespmem:$0x10100] =	vst v63  }
0x33: {  	v3 =	vld [tilespmem:$0x10];
	_ =	sdelay $0x4  }
0x34: {  	v57 =	vshll.u32 v3, $0x3  }
0x35: {  	v3 =	vand.u32 $0x7, v3;
	v4 =	vand.u32 $0xFFFFFFC0, v57  }
0x36: {  	v3 =	vor.u32 v3, v4  }
0x37: {  	v4 =	vperm.xlane v3, v0;
	_ =	sdelay $0x1  }
0x38: {  	v4 =	vadd.s32 v1, v4;
	_ =	sdelay $0x4  }
0x39: {  	[tilespmem:s30], [sflag:$0x1] =	stream.indirect_vreg.gather [hbm4b:s3+s2], $0x80, v4, vm0, $0xb8;
	[tilespmem:$0x10100] =	vst v63  }
0x3a: {  	v3 =	vperm.xlane v3, v2  }
0x3b: {  	[tilespmem:s31], [sflag:$0x1] =	stream.indirect_vreg.gather [hbm4b:s4+s2], $0x80, v4, vm0, $0xb8;
	[tilespmem:$0x10100] =	vst v63  }
0x3c: {  	v3 =	vadd.s32 v1, v3  }
0x3d: {  	[tilespmem:s9], [sflag:$0x1] =	stream.indirect_vreg.gather [hbm4b:s5+s2], $0x80, v4, vm0, $0xb8;
	[tilespmem:$0x10100] =	vst v63  }
0x3e: {  	s1 =	simm.s32 $0x5900  }
0x3f: {  	[tilespmem:s1], [sflag:$0x1] =	stream.indirect_vreg.gather [hbm4b:s6+s2], $0x80, v4, vm0, $0xb8;
	[tilespmem:$0x10100] =	vst v63  }
0x40: {  	_ = 	snop  }
0x41: {  	[tilespmem:s10], [sflag:$0x1] =	stream.indirect_vreg.gather [hbm4b:s3+s2], $0x80, v3, vm0, $0xb8;
	[tilespmem:$0x10100] =	vst v63  }
0x42: {  	_ = 	snop  }
0x43: {  	[tilespmem:s11], [sflag:$0x1] =	stream.indirect_vreg.gather [hbm4b:s4+s2], $0x80, v3, vm0, $0xb8;
	[tilespmem:$0x10100] =	vst v63  }
0x44: {  	_ = 	snop  }
0x45: {  	[tilespmem:s12], [sflag:$0x1] =	stream.indirect_vreg.gather [hbm4b:s5+s2], $0x80, v3, vm0, $0xb8;
	[tilespmem:$0x10100] =	vst v63  }
0x46: {  	_ = 	snop  }
0x47: {  	[tilespmem:s13], [sflag:$0x1] =	stream.indirect_vreg.gather [hbm4b:s6+s2], $0x80, v3, vm0, $0xb8;
	[tilespmem:$0x10100] =	vst v63  }
0x48: {  	s20 =	rddreg [dreg:$0x3]  }
0x49: {  	[tilespmem:s14], [sflag:$0x2] =	stream.linear.gather [hbm4b:s20+s2], $0x20, $0x38;
	[tilespmem:$0x10100] =	vst v63  }
0x4a: {  	_ =	swait.ge [sflag:s8], $0x20  }
0x4b: {  	[sflag:s8] =	ssyncset.done $0x0  }
0x4c: {  	[sflag:s8] =	ssyncadd.s32 $0xFFFFFFE0  }
0x4d: {  	v3 =	vld [tilespmem:$0x80];
	_ =	sdelay $0x4  }
0x4e: {  	v58 =	vshll.u32 v3, $0x3  }
0x4f: {  	v3 =	vand.u32 $0x7, v3;
	v4 =	vand.u32 $0xFFFFFFC0, v58  }
0x50: {  	v3 =	vor.u32 v3, v4  }
0x51: {  	v4 =	vperm.xlane v3, v0;
	_ =	sdelay $0x1  }
0x52: {  	v4 =	vadd.s32 v1, v4;
	_ =	sdelay $0x4  }
0x53: {  	[tilespmem:s0], [sflag:$0x1] =	stream.indirect_vreg.gather [hbm4b:s3+s2], $0x80, v4, vm0, $0xb8;
	[tilespmem:$0x10100] =	vst v63  }
0x54: {  	v3 =	vperm.xlane v3, v2  }
0x55: {  	[tilespmem:s15], [sflag:$0x1] =	stream.indirect_vreg.gather [hbm4b:s4+s2], $0x80, v4, vm0, $0xb8;
	[tilespmem:$0x10100] =	vst v63  }
0x56: {  	v3 =	vadd.s32 v1, v3  }
0x57: {  	[tilespmem:s16], [sflag:$0x1] =	stream.indirect_vreg.gather [hbm4b:s5+s2], $0x80, v4, vm0, $0xb8;
	[tilespmem:$0x10100] =	vst v63  }
0x58: {  	_ = 	snop  }
0x59: {  	[tilespmem:s17], [sflag:$0x1] =	stream.indirect_vreg.gather [hbm4b:s6+s2], $0x80, v4, vm0, $0xb8;
	[tilespmem:$0x10100] =	vst v63  }
0x5a: {  	_ = 	snop  }
0x5b: {  	[tilespmem:s18], [sflag:$0x1] =	stream.indirect_vreg.gather [hbm4b:s3+s2], $0x80, v3, vm0, $0xb8;
	[tilespmem:$0x10100] =	vst v63  }
0x5c: {  	s20 =	simm.s32 $0xA900  }
0x5d: {  	[tilespmem:s20], [sflag:$0x1] =	stream.indirect_vreg.gather [hbm4b:s4+s2], $0x80, v3, vm0, $0xb8;
	[tilespmem:$0x10100] =	vst v63  }
0x5e: {  	s20 =	simm.s32 $0xB100  }
0x5f: {  	[tilespmem:s20], [sflag:$0x1] =	stream.indirect_vreg.gather [hbm4b:s5+s2], $0x80, v3, vm0, $0xb8;
	[tilespmem:$0x10100] =	vst v63  }
0x60: {  	s20 =	simm.s32 $0xB900  }
0x61: {  	[tilespmem:s20], [sflag:$0x1] =	stream.indirect_vreg.gather [hbm4b:s6+s2], $0x80, v3, vm0, $0xb8;
	[tilespmem:$0x10100] =	vst v63  }
0x62: {  	v3 =	vld [tilespmem:$0x90];
	_ =	sdelay $0x4  }
0x63: {  	v59 =	vshll.u32 v3, $0x3  }
0x64: {  	v3 =	vand.u32 $0x7, v3;
	v4 =	vand.u32 $0xFFFFFFC0, v59  }
0x65: {  	v3 =	vor.u32 v3, v4  }
0x66: {  	v4 =	vperm.xlane v3, v0;
	_ =	sdelay $0x1  }
0x67: {  	v4 =	vadd.s32 v1, v4;
	_ =	sdelay $0x3  }
0x68: {  	s20 =	simm.s32 $0xC100  }
0x69: {  	[tilespmem:s20], [sflag:$0x1] =	stream.indirect_vreg.gather [hbm4b:s3+s2], $0x80, v4, vm0, $0xb8;
	[tilespmem:$0x10100] =	vst v63  }
0x6a: {  	v3 =	vperm.xlane v3, v2;
	s20 =	simm.s32 $0xC900  }
0x6b: {  	[tilespmem:s20], [sflag:$0x1] =	stream.indirect_vreg.gather [hbm4b:s4+s2], $0x80, v4, vm0, $0xb8;
	[tilespmem:$0x10100] =	vst v63  }
0x6c: {  	v3 =	vadd.s32 v1, v3;
	s20 =	simm.s32 $0xD100  }
0x6d: {  	[tilespmem:s20], [sflag:$0x1] =	stream.indirect_vreg.gather [hbm4b:s5+s2], $0x80, v4, vm0, $0xb8;
	[tilespmem:$0x10100] =	vst v63  }
0x6e: {  	s20 =	simm.s32 $0xD900  }
0x6f: {  	[tilespmem:s20], [sflag:$0x1] =	stream.indirect_vreg.gather [hbm4b:s6+s2], $0x80, v4, vm0, $0xb8;
	[tilespmem:$0x10100] =	vst v63  }
0x70: {  	s20 =	simm.s32 $0xE100  }
0x71: {  	[tilespmem:s20], [sflag:$0x1] =	stream.indirect_vreg.gather [hbm4b:s3+s2], $0x80, v3, vm0, $0xb8;
	[tilespmem:$0x10100] =	vst v63  }
0x72: {  	s20 =	simm.s32 $0xE900  }
0x73: {  	[tilespmem:s20], [sflag:$0x1] =	stream.indirect_vreg.gather [hbm4b:s4+s2], $0x80, v3, vm0, $0xb8;
	[tilespmem:$0x10100] =	vst v63  }
0x74: {  	s20 =	simm.s32 $0xF100  }
0x75: {  	[tilespmem:s20], [sflag:$0x1] =	stream.indirect_vreg.gather [hbm4b:s5+s2], $0x80, v3, vm0, $0xb8;
	[tilespmem:$0x10100] =	vst v63  }
0x76: {  	s20 =	simm.s32 $0xF900  }
0x77: {  	[tilespmem:s20], [sflag:$0x1] =	stream.indirect_vreg.gather [hbm4b:s6+s2], $0x80, v3, vm0, $0xb8;
	[tilespmem:$0x10100] =	vst v63  }
0x78: {  	_ =	swait.ge [sflag:s19], $0x8000  }
0x79: {  	[sflag:s19] =	ssyncset.done $0x0  }
0x7a: {  	s20 =	rddreg [dreg:$0x4];
	[sflag:s19] =	ssyncadd.s32 $0xFFFF8000  }
0x7b: {  	[hbm4b:s20+s2] =	stream.linear.scatter [tilespmem:s26], [sflag:$0x2], $0x8000, $0x38;
	[tilespmem:$0x10100] =	vst v63  }
0x7c: {  	_ =	swait.ge [sflag:s8], $0x8000  }
0x7d: {  	[sflag:s8] =	ssyncset.done $0x0  }
0x7e: {  	s20 =	rddreg [dreg:$0x5];
	[sflag:s8] =	ssyncadd.s32 $0xFFFF8000  }
0x7f: {  	[tilespmem:s2], [sflag:$0x2] =	stream.linear.gather [hbm4b:s20+s2], $0x20, $0x38;
	[tilespmem:$0x10100] =	vst v63  }
0x80: {  	_ =	swait.ge [sflag:s8], $0x20  }
0x81: {  	[sflag:s8] =	ssyncset.done $0x0  }
0x82: {  	[sflag:s8] =	ssyncadd.s32 $0xFFFFFFE0  }
0x83: {  	v3 =	vld [tilespmem:$0x0];
	_ =	sdelay $0x4  }
0x84: {  	v60 =	vshll.u32 v3, $0x3  }
0x85: {  	v3 =	vand.u32 $0x7, v3;
	v4 =	vand.u32 $0xFFFFFFC0, v60  }
0x86: {  	v3 =	vor.u32 v3, v4  }
0x87: {  	v4 =	vperm.xlane v3, v0;
	_ =	sdelay $0x1  }
0x88: {  	v4 =	vadd.s32 v1, v4;
	_ =	sdelay $0x4  }
0x89: {  	[tilespmem:s26], [sflag:$0x1] =	stream.indirect_vreg.gather [hbm4b:s3+s2], $0x80, v4, vm0, $0xb8;
	[tilespmem:$0x10100] =	vst v63  }
0x8a: {  	v3 =	vperm.xlane v3, v2  }
0x8b: {  	[tilespmem:s21], [sflag:$0x1] =	stream.indirect_vreg.gather [hbm4b:s4+s2], $0x80, v4, vm0, $0xb8;
	[tilespmem:$0x10100] =	vst v63  }
0x8c: {  	v3 =	vadd.s32 v1, v3  }
0x8d: {  	[tilespmem:s22], [sflag:$0x1] =	stream.indirect_vreg.gather [hbm4b:s5+s2], $0x80, v4, vm0, $0xb8;
	[tilespmem:$0x10100] =	vst v63  }
0x8e: {  	_ = 	snop  }
0x8f: {  	[tilespmem:s23], [sflag:$0x1] =	stream.indirect_vreg.gather [hbm4b:s6+s2], $0x80, v4, vm0, $0xb8;
	[tilespmem:$0x10100] =	vst v63  }
0x90: {  	_ = 	snop  }
0x91: {  	[tilespmem:s24], [sflag:$0x1] =	stream.indirect_vreg.gather [hbm4b:s3+s2], $0x80, v3, vm0, $0xb8;
	[tilespmem:$0x10100] =	vst v63  }
0x92: {  	_ = 	snop  }
0x93: {  	[tilespmem:s25], [sflag:$0x1] =	stream.indirect_vreg.gather [hbm4b:s4+s2], $0x80, v3, vm0, $0xb8;
	[tilespmem:$0x10100] =	vst v63  }
0x94: {  	_ = 	snop  }
0x95: {  	[tilespmem:s28], [sflag:$0x1] =	stream.indirect_vreg.gather [hbm4b:s5+s2], $0x80, v3, vm0, $0xb8;
	[tilespmem:$0x10100] =	vst v63  }
0x96: {  	_ = 	snop  }
0x97: {  	[tilespmem:s29], [sflag:$0x1] =	stream.indirect_vreg.gather [hbm4b:s6+s2], $0x80, v3, vm0, $0xb8;
	[tilespmem:$0x10100] =	vst v63  }
0x98: {  	v3 =	vld [tilespmem:$0x10];
	_ =	sdelay $0x4  }
0x99: {  	v61 =	vshll.u32 v3, $0x3  }
0x9a: {  	v3 =	vand.u32 $0x7, v3;
	v4 =	vand.u32 $0xFFFFFFC0, v61  }
0x9b: {  	v3 =	vor.u32 v3, v4  }
0x9c: {  	v4 =	vperm.xlane v3, v0;
	_ =	sdelay $0x1  }
0x9d: {  	v4 =	vadd.s32 v1, v4;
	_ =	sdelay $0x4  }
0x9e: {  	[tilespmem:s30], [sflag:$0x1] =	stream.indirect_vreg.gather [hbm4b:s3+s2], $0x80, v4, vm0, $0xb8;
	[tilespmem:$0x10100] =	vst v63  }
0x9f: {  	v3 =	vperm.xlane v3, v2  }
0xa0: {  	[tilespmem:s31], [sflag:$0x1] =	stream.indirect_vreg.gather [hbm4b:s4+s2], $0x80, v4, vm0, $0xb8;
	[tilespmem:$0x10100] =	vst v63  }
0xa1: {  	v3 =	vadd.s32 v1, v3  }
0xa2: {  	[tilespmem:s9], [sflag:$0x1] =	stream.indirect_vreg.gather [hbm4b:s5+s2], $0x80, v4, vm0, $0xb8;
	[tilespmem:$0x10100] =	vst v63  }
0xa3: {  	_ = 	snop  }
0xa4: {  	[tilespmem:s1], [sflag:$0x1] =	stream.indirect_vreg.gather [hbm4b:s6+s2], $0x80, v4, vm0, $0xb8;
	[tilespmem:$0x10100] =	vst v63  }
0xa5: {  	_ = 	snop  }
0xa6: {  	[tilespmem:s10], [sflag:$0x1] =	stream.indirect_vreg.gather [hbm4b:s3+s2], $0x80, v3, vm0, $0xb8;
	[tilespmem:$0x10100] =	vst v63  }
0xa7: {  	_ = 	snop  }
0xa8: {  	[tilespmem:s11], [sflag:$0x1] =	stream.indirect_vreg.gather [hbm4b:s4+s2], $0x80, v3, vm0, $0xb8;
	[tilespmem:$0x10100] =	vst v63  }
0xa9: {  	_ = 	snop  }
0xaa: {  	[tilespmem:s12], [sflag:$0x1] =	stream.indirect_vreg.gather [hbm4b:s5+s2], $0x80, v3, vm0, $0xb8;
	[tilespmem:$0x10100] =	vst v63  }
0xab: {  	_ = 	snop  }
0xac: {  	[tilespmem:s13], [sflag:$0x1] =	stream.indirect_vreg.gather [hbm4b:s6+s2], $0x80, v3, vm0, $0xb8;
	[tilespmem:$0x10100] =	vst v63  }
0xad: {  	_ =	swait.ge [sflag:s19], $0x8000  }
0xae: {  	[sflag:s19] =	ssyncset.done $0x0  }
0xaf: {  	s1 =	rddreg [dreg:$0x6];
	[sflag:s19] =	ssyncadd.s32 $0xFFFF8000  }
0xb0: {  	[hbm4b:s1+s2] =	stream.linear.scatter [tilespmem:s0], [sflag:$0x2], $0x8000, $0x38;
	[tilespmem:$0x10100] =	vst v63  }
0xb1: {  	_ =	swait.ge [sflag:s8], $0x8000  }
0xb2: {  	[sflag:s8] =	ssyncset.done $0x0  }
0xb3: {  	s1 =	rddreg [dreg:$0x7];
	[sflag:s8] =	ssyncadd.s32 $0xFFFF8000  }
0xb4: {  	[tilespmem:s14], [sflag:$0x2] =	stream.linear.gather [hbm4b:s1+s2], $0x20, $0x38;
	[tilespmem:$0x10100] =	vst v63  }
0xb5: {  	_ =	swait.ge [sflag:s8], $0x20  }
0xb6: {  	[sflag:s8] =	ssyncset.done $0x0  }
0xb7: {  	[sflag:s8] =	ssyncadd.s32 $0xFFFFFFE0  }
0xb8: {  	v3 =	vld [tilespmem:$0x80];
	_ =	sdelay $0x4  }
0xb9: {  	v62 =	vshll.u32 v3, $0x3  }
0xba: {  	v3 =	vand.u32 $0x7, v3;
	v4 =	vand.u32 $0xFFFFFFC0, v62  }
0xbb: {  	v3 =	vor.u32 v3, v4  }
0xbc: {  	v4 =	vperm.xlane v3, v0;
	_ =	sdelay $0x1  }
0xbd: {  	v4 =	vadd.s32 v1, v4;
	_ =	sdelay $0x4  }
0xbe: {  	[tilespmem:s0], [sflag:$0x1] =	stream.indirect_vreg.gather [hbm4b:s3+s2], $0x80, v4, vm0, $0xb8;
	[tilespmem:$0x10100] =	vst v63  }
0xbf: {  	v3 =	vperm.xlane v3, v2  }
0xc0: {  	[tilespmem:s15], [sflag:$0x1] =	stream.indirect_vreg.gather [hbm4b:s4+s2], $0x80, v4, vm0, $0xb8;
	[tilespmem:$0x10100] =	vst v63  }
0xc1: {  	v3 =	vadd.s32 v1, v3  }
0xc2: {  	[tilespmem:s16], [sflag:$0x1] =	stream.indirect_vreg.gather [hbm4b:s5+s2], $0x80, v4, vm0, $0xb8;
	[tilespmem:$0x10100] =	vst v63  }
0xc3: {  	_ = 	snop  }
0xc4: {  	[tilespmem:s17], [sflag:$0x1] =	stream.indirect_vreg.gather [hbm4b:s6+s2], $0x80, v4, vm0, $0xb8;
	[tilespmem:$0x10100] =	vst v63  }
0xc5: {  	_ = 	snop  }
0xc6: {  	[tilespmem:s18], [sflag:$0x1] =	stream.indirect_vreg.gather [hbm4b:s3+s2], $0x80, v3, vm0, $0xb8;
	[tilespmem:$0x10100] =	vst v63  }
0xc7: {  	s20 =	simm.s32 $0xA900  }
0xc8: {  	[tilespmem:s20], [sflag:$0x1] =	stream.indirect_vreg.gather [hbm4b:s4+s2], $0x80, v3, vm0, $0xb8;
	[tilespmem:$0x10100] =	vst v63  }
0xc9: {  	s20 =	simm.s32 $0xB100  }
0xca: {  	[tilespmem:s20], [sflag:$0x1] =	stream.indirect_vreg.gather [hbm4b:s5+s2], $0x80, v3, vm0, $0xb8;
	[tilespmem:$0x10100] =	vst v63  }
0xcb: {  	s20 =	simm.s32 $0xB900  }
0xcc: {  	[tilespmem:s20], [sflag:$0x1] =	stream.indirect_vreg.gather [hbm4b:s6+s2], $0x80, v3, vm0, $0xb8;
	[tilespmem:$0x10100] =	vst v63  }
0xcd: {  	v3 =	vld [tilespmem:$0x90];
	_ =	sdelay $0x4  }
0xce: {  	v63 =	vshll.u32 v3, $0x3  }
0xcf: {  	v3 =	vand.u32 $0x7, v3;
	v4 =	vand.u32 $0xFFFFFFC0, v63  }
0xd0: {  	v3 =	vor.u32 v3, v4  }
0xd1: {  	v4 =	vperm.xlane v3, v0;
	_ =	sdelay $0x1  }
0xd2: {  	v4 =	vadd.s32 v1, v4;
	_ =	sdelay $0x3  }
0xd3: {  	s20 =	simm.s32 $0xC100  }
0xd4: {  	[tilespmem:s20], [sflag:$0x1] =	stream.indirect_vreg.gather [hbm4b:s3+s2], $0x80, v4, vm0, $0xb8;
	[tilespmem:$0x10100] =	vst v63  }
0xd5: {  	v3 =	vperm.xlane v3, v2;
	s20 =	simm.s32 $0xC900  }
0xd6: {  	[tilespmem:s20], [sflag:$0x1] =	stream.indirect_vreg.gather [hbm4b:s4+s2], $0x80, v4, vm0, $0xb8;
	[tilespmem:$0x10100] =	vst v63  }
0xd7: {  	v3 =	vadd.s32 v1, v3;
	s20 =	simm.s32 $0xD100  }
0xd8: {  	[tilespmem:s20], [sflag:$0x1] =	stream.indirect_vreg.gather [hbm4b:s5+s2], $0x80, v4, vm0, $0xb8;
	[tilespmem:$0x10100] =	vst v63  }
0xd9: {  	s20 =	simm.s32 $0xD900  }
0xda: {  	[tilespmem:s20], [sflag:$0x1] =	stream.indirect_vreg.gather [hbm4b:s6+s2], $0x80, v4, vm0, $0xb8;
	[tilespmem:$0x10100] =	vst v63  }
0xdb: {  	s20 =	simm.s32 $0xE100  }
0xdc: {  	[tilespmem:s20], [sflag:$0x1] =	stream.indirect_vreg.gather [hbm4b:s3+s2], $0x80, v3, vm0, $0xb8;
	[tilespmem:$0x10100] =	vst v63  }
0xdd: {  	s20 =	simm.s32 $0xE900  }
0xde: {  	[tilespmem:s20], [sflag:$0x1] =	stream.indirect_vreg.gather [hbm4b:s4+s2], $0x80, v3, vm0, $0xb8;
	[tilespmem:$0x10100] =	vst v63  }
0xdf: {  	s20 =	simm.s32 $0xF100  }
0xe0: {  	[tilespmem:s20], [sflag:$0x1] =	stream.indirect_vreg.gather [hbm4b:s5+s2], $0x80, v3, vm0, $0xb8;
	[tilespmem:$0x10100] =	vst v63  }
0xe1: {  	s20 =	simm.s32 $0xF900  }
0xe2: {  	[tilespmem:s20], [sflag:$0x1] =	stream.indirect_vreg.gather [hbm4b:s6+s2], $0x80, v3, vm0, $0xb8;
	[tilespmem:$0x10100] =	vst v63  }
0xe3: {  	_ =	swait.ge [sflag:s19], $0x8000  }
0xe4: {  	[sflag:s19] =	ssyncset.done $0x0  }
0xe5: {  	s1 =	rddreg [dreg:$0x8];
	[sflag:s19] =	ssyncadd.s32 $0xFFFF8000  }
0xe6: {  	[hbm4b:s1+s2] =	stream.linear.scatter [tilespmem:s26], [sflag:$0x2], $0x8000, $0x38;
	[tilespmem:$0x10100] =	vst v63  }
0xe7: {  	_ =	swait.ge [sflag:s8], $0x8000  }
0xe8: {  	[sflag:s8] =	ssyncset.done $0x0  }
0xe9: {  	[sflag:s8] =	ssyncadd.s32 $0xFFFF8000  }
0xea: {  	_ =	swait.ge [sflag:s19], $0x8000  }
0xeb: {  	p0 =	sne.s32 s7, $0x1;
	[sflag:s19] =	ssyncset.done $0x0  }
.Ltmp0:
0xec: {  	s1 =	rddreg [dreg:$0x9];
	[sflag:s19] =	ssyncadd.s32 $0xFFFF8000;
	(pc) =	sbr.rel @p0 .LBB2_1-.Ltmp0, $4  }
0xed: {  	[hbm4b:s1+s2] =	stream.linear.scatter [tilespmem:s0], [sflag:$0x2], $0x8000, $0x38;
	[tilespmem:$0x10100] =	vst v63  }
0xee: {  	_ =	swait.ge [sflag:s8], $0x8000  }
0xef: {  	[sflag:s8] =	ssyncset.done $0x0  }
0xf0: {  	s7 =	sadd.s32 $0xFFFFFFFF, s7;
	[sflag:s8] =	ssyncadd.s32 $0xFFFF8000  }
0xf1: {  	_ =	sfence.sel $0x180000  }
0xf2: {  	[bflag:$0x0] =	sbarrier.arrive $0xFFFF  }
0xf3: {  	_ =	strace $0x9000004A  }
0xf4: {  	s0 =	stileid.u32;
	[bflag:$0x2] =	sbarrier.arrive $0xFFFF  }
0xf5: {  	p0 =	sne.s32 s0, $0x0;
	s0 =	rddreg [dreg:$0x1]  }
0xf6: {  	s0 =	sadd.s32 @!p0 $0x100000, s0  }
0xf7: {  	[sflag:s0] =	ssyncadd.tile.s32 @!p0 $0x1;
	_ =	shalt  }
.Lfunc_end2:
_tile_overlayer_lowered:
.L_overlay_start_2:
0xf8: {  	(tag) =	ssettag $0x2  }
0xf9: {  	s0 =	rddreg [dreg:$0x0];
	s2 =	stileid.u32  }
0xfa: {  	s1 =	rddreg [dreg:$0x1];
	p0 =	sne.s32 s2, $0x0  }
0xfb: {  	s3 =	rddreg [dreg:$0x2];
	[bflag:$0x3] =	sbarrier.arrive $0xFFFF;
	s2 =	simm.s32 @!p0 $0x1C02  }
0xfc: {  	[timem:s3], [sflag:s2] =	dma.local @!p0 [hbm:s0], s1  }
0xfd: {  	s0 =	simm.s32 @!p0 $0x2  }
0xfe: {  	_ =	swait.ge @!p0 [sflag:s0], s1  }
0xff: {  	s1 =	ssub.s32 @!p0 $0x0, s1;
	[sflag:s0] =	ssyncset.done @!p0 $0x0  }
0x100: {  	[sflag:s0] =	ssyncadd.s32 @!p0 s1  }
0x101: {  	[bflag:$0x3] =	sbarrier.arrive $0xFFFF  }
0x102: {  	_ =	shalt  }

// kernel: kernel.7.cloned.1.call-start
scs
__scs_entry_jumppad:
0x0: {  	(pc) =	sbr.rel $0x88, $3  }
0x1: {  	(tag) =	ssettag $0x0;
	lr =	simm.s32 $0x1  }
0x2: {  	[smem:$0x3F9B] =	sst lr;
	_ =	strace $0xD0000000  }
0x3: {  	_ = 	snop  }
0x4: {  	_ = 	snop  }
0x5: {  	_ = 	snop  }
0x6: {  	_ = 	snop  }
0x7: {  	_ = 	snop  }
__scs_overlays_trampoline_lowered:
0x8: {  	[smem:$0x3FAA] =	sst s0  }
0x9: {  	[smem:$0x3FAB] =	sst s1  }
0xa: {  	[smem:$0x3FAC] =	sst s2  }
0xb: {  	[smem:$0x3FAD] =	sst s3  }
0xc: {  	[smem:$0x3FAE] =	sst s4  }
0xd: {  	[smem:$0x3FAF] =	sst s5  }
0xe: {  	[smem:$0x3FB0] =	sst s6  }
0xf: {  	[smem:$0x3FB1] =	sst s7  }
0x10: {  	[smem:$0x3FB2] =	sst s8  }
0x11: {  	[smem:$0x3FB3] =	sst s9;
	s0 =	simm.s32 @!p0 $0x0  }
0x12: {  	s1 =	sld [smem:$0x3F99];
	s0 =	simm.s32 @p0 $0x1  }
0x13: {  	[smem:$0x3FB4] =	sst s0;
	s0 =	simm.s32 @!p1 $0x0  }
0x14: {  	s2 =	sld [smem:$0x3F98];
	s0 =	simm.s32 @p1 $0x1  }
0x15: {  	[smem:$0x3FB5] =	sst s0;
	s0 =	simm.s32 @!p2 $0x0  }
0x16: {  	s3 =	sld [smem:$0x3FDB];
	s0 =	simm.s32 @p2 $0x1  }
0x17: {  	s4 =	simm.s32 $0x1BF5;
	[smem:$0x3FB7] =	sst s0  }
0x18: {  	s0 =	sld [smem:$0x3F9A];
	_ =	swait.ge [sflag:s4], $0x0  }
0x19: {  	s7 =	sld [smem:$0x3F9B]  }
0x1a: {  	s8 =	sadd.s32 $0xFFFFE003, lr  }
0x1b: {  	s9 =	sadd.s32 $0xFFFFFEF7, lr;
	s5 =	simm.s32 $0xFFFFFFFF;
	p2 =	slt.u32 s8, $0xFFFFF086  }
0x1c: {  	p1 =	slt.u32 s9, $0xF7A;
	s5 =	simm.s32 @!p2 $0x0  }
0x1d: {  	s5 =	simm.s32 @p1 $0x1;
	p0 =	seq.s32 s7, s2  }
0x1e: {  	s7 =	smul.u32 @!p0 $0xF7A, s2;
	p2 =	seq.s32 @!p0 s5, $0x0  }
0x1f: {  	s9 =	smul.u32 $0xF7A, s1;
	s8 =	simm.s32 @!p0 $0x1BF5;
	p2 =	por !p2, p0  }
0x20: {  	[sflag:s8] =	ssyncset.s32 @!p0 $0xFFFFF086;
	s6 =	sadd.s32 @!p0 s3, s7;
	s7 =	simm.s32 @!p0 $0x108  }
0x21: {  	s3 =	sadd.s32 s3, s9;
	s6 =	sadd.s32 @!p0 $0x88, s6;
	s7 =	simm.s32 @p2 $0x1082  }
0x22: {  	[simem:s7], [sflag:s8] =	dma.local @!p0 [hbm:s6], $0xF7A  }
0x23: {  	s9 =	sor.u32 $0xD0000000, s2;
	s6 =	simm.s32 $0x108;
	_ =	swait.ge @!p0 [sflag:s8], $0x0  }
0x24: {  	s3 =	sadd.s32 $0x88, s3;
	s6 =	simm.s32 @!p1 $0x1082;
	[sflag:s4] =	ssyncset.s32 $0xFFFFF086  }
0x25: {  	[simem:s6], [sflag:s4] =	dma.local [hbm:s3], $0xF7A  }
0x26: {  	[smem:$0x3F9B] =	sst s1;
	(tag) =	ssettag s2;
	_ =	strace s9  }
0x27: {  	s1 =	sld [smem:$0x3FAB]  }
0x28: {  	s2 =	sld [smem:$0x3FAC]  }
0x29: {  	s4 =	sld [smem:$0x3FAE]  }
0x2a: {  	p0 =	seq.s32 s5, $0x0;
	s5 =	sld [smem:$0x3FAF]  }
0x2b: {  	s6 =	sld [smem:$0x3FB0]  }
0x2c: {  	s7 =	sld [smem:$0x3FB1]  }
0x2d: {  	s3 =	simm.s32 $0x108;
	s8 =	sld [smem:$0x3FB2]  }
0x2e: {  	s3 =	simm.s32 @!p0 $0x1082;
	s9 =	sld [smem:$0x3FB3]  }
0x2f: {  	lr =	sadd.s32 s0, s3;
	s0 =	sld [smem:$0x3FAA]  }
0x30: {  	s3 =	sld [smem:$0x3FAD]  }
0x31: {  	[smem:$0x3FB6] =	sst s10  }
0x32: {  	s10 =	sld [smem:$0x3FB4];
	_ =	sdelay $0x3  }
0x33: {  	p0 =	seq.s32 s10, $0x1;
	s10 =	sld [smem:$0x3FB6];
	_ =	sdelay $0x3  }
0x34: {  	[smem:$0x3FB6] =	sst s10  }
0x35: {  	s10 =	sld [smem:$0x3FB5];
	_ =	sdelay $0x3  }
0x36: {  	p1 =	seq.s32 s10, $0x1;
	s10 =	sld [smem:$0x3FB6];
	_ =	sdelay $0x3  }
0x37: {  	[smem:$0x3FB6] =	sst s10  }
0x38: {  	s10 =	sld [smem:$0x3FB7]  }
0x39: {  	_ = 	snop;
	(pc) =	sbr.ind lr, $3  }
0x3a: {  	_ = 	snop  }
0x3b: {  	_ = 	snop  }
0x3c: {  	p2 =	seq.s32 s10, $0x1;
	s10 =	sld [smem:$0x3FB6]  }
0x3d: {  	_ =	shalt  }
0x3e: {  	_ =	shalt  }
0x3f: {  	_ =	shalt  }
0x40: {  	_ =	shalt  }
0x41: {  	_ =	shalt  }
0x42: {  	_ =	shalt  }
0x43: {  	_ =	shalt  }
0x44: {  	_ =	shalt  }
0x45: {  	_ =	shalt  }
0x46: {  	_ =	shalt  }
0x47: {  	_ =	shalt  }
0x48: {  	_ =	shalt  }
0x49: {  	_ =	shalt  }
0x4a: {  	_ =	shalt  }
0x4b: {  	_ =	shalt  }
0x4c: {  	_ =	shalt  }
0x4d: {  	_ =	shalt  }
0x4e: {  	_ =	shalt  }
0x4f: {  	_ =	shalt  }
0x50: {  	_ =	shalt  }
0x51: {  	_ =	shalt  }
0x52: {  	_ =	shalt  }
0x53: {  	_ =	shalt  }
0x54: {  	_ =	shalt  }
0x55: {  	_ =	shalt  }
0x56: {  	_ =	shalt  }
0x57: {  	_ =	shalt  }
0x58: {  	_ =	shalt  }
0x59: {  	_ =	shalt  }
0x5a: {  	_ =	shalt  }
0x5b: {  	_ =	shalt  }
0x5c: {  	_ =	shalt  }
0x5d: {  	_ =	shalt  }
0x5e: {  	_ =	shalt  }
0x5f: {  	_ =	shalt  }
0x60: {  	_ =	shalt  }
0x61: {  	_ =	shalt  }
0x62: {  	_ =	shalt  }
0x63: {  	_ =	shalt  }
0x64: {  	_ =	shalt  }
0x65: {  	_ =	shalt  }
0x66: {  	_ =	shalt  }
0x67: {  	_ =	shalt  }
0x68: {  	_ =	shalt  }
0x69: {  	_ =	shalt  }
0x6a: {  	_ =	shalt  }
0x6b: {  	_ =	shalt  }
0x6c: {  	_ =	shalt  }
0x6d: {  	_ =	shalt  }
0x6e: {  	_ =	shalt  }
0x6f: {  	_ =	shalt  }
0x70: {  	_ =	shalt  }
0x71: {  	_ =	shalt  }
0x72: {  	_ =	shalt  }
0x73: {  	_ =	shalt  }
0x74: {  	_ =	shalt  }
0x75: {  	_ =	shalt  }
0x76: {  	_ =	shalt  }
0x77: {  	_ =	shalt  }
0x78: {  	_ =	shalt  }
0x79: {  	_ =	shalt  }
0x7a: {  	_ =	shalt  }
0x7b: {  	_ =	shalt  }
0x7c: {  	_ =	shalt  }
0x7d: {  	_ =	shalt  }
0x7e: {  	_ =	shalt  }
0x7f: {  	_ =	shalt  }
0x80: {  	_ =	shalt  }
0x81: {  	_ =	shalt  }
0x82: {  	_ =	shalt  }
0x83: {  	_ =	shalt  }
0x84: {  	_ =	shalt  }
0x85: {  	_ =	shalt  }
0x86: {  	_ =	shalt  }
0x87: {  	_ =	shalt  }
.Lfunc_end0:
.L_simem_size_0:
called_computation_lowered:
.L_overlay_start_0:
0x88: {  	s2 =	sld [smem:$0x3FD9]  }
0x89: {  	s3 =	sld [smem:$0x3FFE];
	_ =	sdelay $0x1  }
0x8a: {  	s1 =	srdreg.scid  }
0x8b: {  	s0 =	sand.u32 $0x1, s1  }
0x8c: {  	s17 =	sshll.u32 s0, $0xA;
	s2 =	sadd.s32 s3, s2  }
0x8d: {  	s2 =	sadd.s32 s2, s17  }
0x8e: {  	[smem:$0x3FC2] =	sst s2  }
0x8f: {  	_ = 	snop  }
0x90: {  	s2 =	sld [smem:$0x3FC9];
	(tm) =	ssettm $0x1  }
0x91: {  	s18 =	sld [smem:$0x3FFB];
	_ =	sdelay $0x3  }
0x92: {  	_ =	strace s18  }
0x93: {  	s3 =	sld [smem:$0x3FFC];
	_ =	sdelay $0x3  }
0x94: {  	_ =	strace s3  }
0x95: {  	s3 =	sld [smem:$0x3FFD];
	_ =	sdelay $0x3  }
0x96: {  	_ =	strace s3  }
0x97: {  	_ =	strace $0x8FFFFFFF  }
0x98: {  	s19 =	sld [smem:$0x3FDB];
	_ =	sdelay $0x1  }
0x99: {  	s4 =	simm.s32 $_scs_section_size  }
0x9a: {  	s5 =	simm.s32 $_size__tile_overlayer_lowered;
	s6 =	simm.s32 $_tile_overlayer_lowered  }
0x9b: {  	s22 =	simm.s32 $0x1BFF;
	s21 =	sshll.u32 s6, $0x1;
	s3 =	sadd.s32 s4, s19  }
0x9c: {  	s7 =	simm.s32 $0x0;
	s20 =	sshll.u32 s5, $0x1;
	s5 =	sadd.s32 s21, s3  }
0x9d: {  	[timem:s7], [sflag:s22] =	dma.local [hbm:s5], s20  }
0x9e: {  	_ =	swait.ge [sflag:s22], s20  }
0x9f: {  	s4 =	ssub.s32 $0x0, s20;
	[sflag:s22] =	ssyncset.done $0x0  }
0xa0: {  	[sflag:s22] =	ssyncadd.s32 s4;
	_ =	sdelay $0x1  }
0xa1: {  	s23 =	simm.s32 $0x1B8B  }
0xa2: {  	_ =	swait.ge [sflag:s23], $0x1  }
0xa3: {  	[sflag:s23] =	ssyncset.done $0x0  }
0xa4: {  	s25 =	simm.s32 $0x1B8E;
	s24 =	sld [smem:$0x3FFE];
	[sflag:s23] =	ssyncadd.s32 $0xFFFFFFFF  }
0xa5: {  	s26 =	simm.s32 $execute0_lowered;
	[smem:$0x3FD2] =	sst s25  }
0xa6: {  	s5 =	sshll.u32 s26, $0x1;
	_ =	strace $0x80000046;
	[dreg:$0x1] =	wrdreg $0xFFFFFFFF  }
0xa7: {  	s28 =	simm.s32 $_size_execute0_lowered;
	s3 =	sadd.s32 s3, s5;
	[dreg:$0x0] =	wrdreg $0x0  }
0xa8: {  	s5 =	sshll.u32 s28, $0x1;
	[dreg:$0x2] =	wrdreg s3  }
0xa9: {  	[dreg:$0x3] =	wrdreg s5  }
0xaa: {  	[dreg:$0x4] =	wrdreg $0xC0  }
0xab: {  	_ =	task [dreg:s7], $0x5FFFF  }
0xac: {  	[dreg:$0x1] =	wrdreg $0xFFFFFFFF  }
0xad: {  	[dreg:$0x0] =	wrdreg $0x60  }
0xae: {  	[dreg:$0x2] =	wrdreg s2  }
0xaf: {  	[dreg:$0x3] =	wrdreg s24  }
0xb0: {  	[dreg:$0x4] =	wrdreg $0x9  }
0xb1: {  	_ =	task.clear_ibuf [dreg:s7], $0x5FFFF;
	_ =	strace $0x90000046  }
0xb2: {  	s29 =	simm.s32 $0x9;
	_ =	strace $0x80000048  }
0xb3: {  	_ =	swait.ge [sflag:s29], $0x1  }
0xb4: {  	[sflag:s29] =	ssyncadd.s32 $0xFFFFFFFF  }
0xb5: {  	_ =	strace $0x90000048  }
0xb6: {  	_ =	sfence  }
0xb7: {  	s30 =	sld [smem:$0x0];
	_ =	sdelay $0x2  }
0xb8: {  	s31 =	sshll.u32 s1, $0xD;
	s1 =	sshrl.u32 s1, $0x2  }
0xb9: {  	s3 =	sand.u32 $0x4000, s31;
	s1 =	sadd.s32 s1, s30  }
0xba: {  	s0 =	sor.u32 s3, s0;
	s1 =	sshll.u32 s1, $0x11  }
0xbb: {  	s0 =	sor.u32 s1, s0  }
0xbc: {  	s0 =	sadd.s32 $0x8F2B, s0  }
0xbd: {  	[sflag:s0] =	ssyncadd.remote.s32 $0x1  }
0xbe: {  	_ =	sfence.sel $0xFFFF  }
0xbf: {  	[dreg:$0x0] =	wrdreg $0xFFFFFFFF;
	(pc) =	sbr.abs _section_cstart, $3  }
0xc0: {  	[dreg:$0x1] =	wrdreg $0xFFFFFFFF  }
0xc1: {  	_ =	task.clear_ibuf [dreg:s7], $0x2FFFF;
	_ =	strace $0x9FFFFFFF  }
0xc2: {  	(tm) =	ssettm $0x7FFFFFFF  }
0xc3: {  	_ =	shalt  }
tec
execute0_lowered:
.L_overlay_start_1:
0x0: {  	(tag) =	ssettag $0x1  }
0x1: {  	s0 =	rddreg [dreg:$0x0]  }
0x2: {  	s1 =	rddreg [dreg:$0x1]  }
0x3: {  	s2 =	srdreg.scid;
	s3 =	stileid.u32;
	s9 =	simm.s32 $0x2  }
0x4: {  	s26 =	simm.s32 $0x80;
	s21 =	simm.s32 $0x1900;
	s22 =	simm.s32 $0x2100  }
0x5: {  	s28 =	simm.s32 $0x4900;
	s29 =	simm.s32 $0x5100;
	s30 =	simm.s32 $0x5900  }
0x6: {  	s31 =	simm.s32 $0x6100;
	s10 =	simm.s32 $0x7900;
	s11 =	simm.s32 $0x8100  }
0x7: {  	s12 =	simm.s32 $0x8900;
	s13 =	simm.s32 $0x9100;
	s14 =	simm.s32 $0x9900  }
0x8: {  	s15 =	simm.s32 $0xA100;
	s16 =	simm.s32 $0xA900;
	s17 =	simm.s32 $0xB100  }
0x9: {  	s8 =	simm.s32 $0xB900;
	s4 =	sand.u32 $0x1, s2;
	s2 =	simm.s32 $0x0  }
0xa: {  	s3 =	sshll.u32 s3, $0x7;
	s5 =	sshll.u32 s4, $0x6;
	[smem:$0x7FF] =	sst s2  }
0xb: {  	s4 =	ssub.s32 $0x2, s4;
	s3 =	sor.u32 s5, s3;
	_ =	strace $0x80000047  }
0xc: {  	s24 =	sshrl.u32 s4, $0x1;
	[dreg:$0x6] =	wrdreg s26;
	s26 =	simm.s32 $0x4100  }
0xd: {  	s5 =	sshrl.u32 s3, $0x3;
	s6 =	sshll.u32 s3, $0x7;
	s3 =	sadd.s32 $0x1000, s1  }
0xe: {  	s7 =	ssub.s32 s4, s24;
	s4 =	sadd.s32 $0x1100, s1;
	s24 =	simm.s32 $0x3100  }
0xf: {  	s5 =	sadd.s32 s5, s1;
	s0 =	sadd.s32 s0, s6;
	s6 =	sadd.s32 $0x1300, s1  }
0x10: {  	v2 =	vlaneseq.u32;
	s7 =	smax.u32 s7, $0x1;
	[dreg:$0x3] =	wrdreg s0;
	s23 =	sadd.s32 $0xE00, s5  }
0x11: {  	vm0 =	vmmov $0xffff;
	v1 =	vshrl.u32 v2, $0x3;
	s25 =	sadd.s32 $0xF00, s5;
	s5 =	sadd.s32 $0x1200, s1;
	[dreg:$0x4] =	wrdreg s23  }
0x12: {  	v0 =	vand.u32 $0x7, v2;
	v2 =	vor.u32 $0x8, v2;
	v1 =	vmul.u32 $0x8, v1;
	[dreg:$0x5] =	wrdreg s25;
	s23 =	simm.s32 $0x2900;
	s25 =	simm.s32 $0x3900  }
.LBB2_1:
0x13: {  	s19 =	rddreg [dreg:$0x3];
	s18 =	simm.s32 $0x100  }
0x14: {  	[tilespmem:s18], [sflag:$0x2] =	stream.linear.gather [hbm4b:s19+s2], $0x10000, $0x38;
	[tilespmem:$0x10100] =	vst v63  }
0x15: {  	_ =	swait.ge [sflag:s9], $0x10000  }
0x16: {  	[sflag:s9] =	ssyncset.done $0x0  }
0x17: {  	s0 =	rddreg [dreg:$0x4];
	[sflag:s9] =	ssyncadd.s32 $0xFFFF0000  }
0x18: {  	[tilespmem:s2], [sflag:$0x2] =	stream.linear.gather [hbm4b:s0+s2], $0x40, $0x38;
	[tilespmem:$0x10100] =	vst v63  }
0x19: {  	_ =	swait.ge [sflag:s9], $0x40  }
0x1a: {  	s1 =	rddreg [dreg:$0x5];
	[sflag:s9] =	ssyncset.done $0x0  }
0x1b: {  	s20 =	rddreg [dreg:$0x6];
	[sflag:s9] =	ssyncadd.s32 $0xFFFFFFC0  }
0x1c: {  	[tilespmem:s20], [sflag:$0x2] =	stream.linear.gather [hbm4b:s1+s2], $0x40, $0x38;
	[tilespmem:$0x10100] =	vst v63  }
0x1d: {  	_ =	swait.ge [sflag:s9], $0x40  }
0x1e: {  	[sflag:s9] =	ssyncset.done $0x0  }
0x1f: {  	[sflag:s9] =	ssyncadd.s32 $0xFFFFFFC0  }
0x20: {  	v3 =	vld [tilespmem:$0x0];
	_ =	sdelay $0x4  }
0x21: {  	v4 =	vshll.u32 v3, $0x3  }
0x22: {  	v3 =	vand.u32 $0x7, v3;
	v4 =	vand.u32 $0xFFFFFFC0, v4  }
0x23: {  	v3 =	vor.u32 v3, v4  }
0x24: {  	v4 =	vperm.xlane v3, v0;
	_ =	sdelay $0x1  }
0x25: {  	v4 =	vadd.s32 v1, v4;
	_ =	sdelay $0x4  }
0x26: {  	[hbm4b:s3+s2] =	stream.indirect_vreg.scatter [tilespmem:s18], [sflag:$0x1], $0x80, v4, vm0, $0xb8;
	[tilespmem:$0x10100] =	vst v63  }
0x27: {  	s19 =	simm.s32 $0x900;
	v3 =	vperm.xlane v3, v2  }
0x28: {  	[hbm4b:s4+s2] =	stream.indirect_vreg.scatter [tilespmem:s19], [sflag:$0x1], $0x80, v4, vm0, $0xb8;
	[tilespmem:$0x10100] =	vst v63  }
0x29: {  	s20 =	simm.s32 $0x1100;
	v3 =	vadd.s32 v1, v3  }
0x2a: {  	[hbm4b:s5+s2] =	stream.indirect_vreg.scatter [tilespmem:s20], [sflag:$0x1], $0x80, v4, vm0, $0xb8;
	[tilespmem:$0x10100] =	vst v63  }
0x2b: {  	_ = 	snop  }
0x2c: {  	[hbm4b:s6+s2] =	stream.indirect_vreg.scatter [tilespmem:s21], [sflag:$0x1], $0x80, v4, vm0, $0xb8;
	[tilespmem:$0x10100] =	vst v63  }
0x2d: {  	_ = 	snop  }
0x2e: {  	[hbm4b:s3+s2] =	stream.indirect_vreg.scatter [tilespmem:s22], [sflag:$0x1], $0x80, v3, vm0, $0xb8;
	[tilespmem:$0x10100] =	vst v63  }
0x2f: {  	_ = 	snop  }
0x30: {  	[hbm4b:s4+s2] =	stream.indirect_vreg.scatter [tilespmem:s23], [sflag:$0x1], $0x80, v3, vm0, $0xb8;
	[tilespmem:$0x10100] =	vst v63  }
0x31: {  	_ = 	snop  }
0x32: {  	[hbm4b:s5+s2] =	stream.indirect_vreg.scatter [tilespmem:s24], [sflag:$0x1], $0x80, v3, vm0, $0xb8;
	[tilespmem:$0x10100] =	vst v63  }
0x33: {  	_ = 	snop  }
0x34: {  	[hbm4b:s6+s2] =	stream.indirect_vreg.scatter [tilespmem:s25], [sflag:$0x1], $0x80, v3, vm0, $0xb8;
	[tilespmem:$0x10100] =	vst v63  }
0x35: {  	v3 =	vld [tilespmem:$0x10];
	_ =	sdelay $0x4  }
0x36: {  	v57 =	vshll.u32 v3, $0x3  }
0x37: {  	v3 =	vand.u32 $0x7, v3;
	v4 =	vand.u32 $0xFFFFFFC0, v57  }
0x38: {  	v3 =	vor.u32 v3, v4  }
0x39: {  	v4 =	vperm.xlane v3, v0;
	_ =	sdelay $0x1  }
0x3a: {  	v4 =	vadd.s32 v1, v4;
	_ =	sdelay $0x4  }
0x3b: {  	[hbm4b:s3+s2] =	stream.indirect_vreg.scatter [tilespmem:s26], [sflag:$0x1], $0x80, v4, vm0, $0xb8;
	[tilespmem:$0x10100] =	vst v63  }
0x3c: {  	v3 =	vperm.xlane v3, v2  }
0x3d: {  	[hbm4b:s4+s2] =	stream.indirect_vreg.scatter [tilespmem:s28], [sflag:$0x1], $0x80, v4, vm0, $0xb8;
	[tilespmem:$0x10100] =	vst v63  }
0x3e: {  	v3 =	vadd.s32 v1, v3  }
0x3f: {  	[hbm4b:s5+s2] =	stream.indirect_vreg.scatter [tilespmem:s29], [sflag:$0x1], $0x80, v4, vm0, $0xb8;
	[tilespmem:$0x10100] =	vst v63  }
0x40: {  	_ = 	snop  }
0x41: {  	[hbm4b:s6+s2] =	stream.indirect_vreg.scatter [tilespmem:s30], [sflag:$0x1], $0x80, v4, vm0, $0xb8;
	[tilespmem:$0x10100] =	vst v63  }
0x42: {  	_ = 	snop  }
0x43: {  	[hbm4b:s3+s2] =	stream.indirect_vreg.scatter [tilespmem:s31], [sflag:$0x1], $0x80, v3, vm0, $0xb8;
	[tilespmem:$0x10100] =	vst v63  }
0x44: {  	s0 =	simm.s32 $0x6900  }
0x45: {  	[hbm4b:s4+s2] =	stream.indirect_vreg.scatter [tilespmem:s0], [sflag:$0x1], $0x80, v3, vm0, $0xb8;
	[tilespmem:$0x10100] =	vst v63  }
0x46: {  	s1 =	simm.s32 $0x7100  }
0x47: {  	[hbm4b:s5+s2] =	stream.indirect_vreg.scatter [tilespmem:s1], [sflag:$0x1], $0x80, v3, vm0, $0xb8;
	[tilespmem:$0x10100] =	vst v63  }
0x48: {  	_ = 	snop  }
0x49: {  	[hbm4b:s6+s2] =	stream.indirect_vreg.scatter [tilespmem:s10], [sflag:$0x1], $0x80, v3, vm0, $0xb8;
	[tilespmem:$0x10100] =	vst v63  }
0x4a: {  	v3 =	vld [tilespmem:$0x20];
	_ =	sdelay $0x4  }
0x4b: {  	v58 =	vshll.u32 v3, $0x3  }
0x4c: {  	v3 =	vand.u32 $0x7, v3;
	v4 =	vand.u32 $0xFFFFFFC0, v58  }
0x4d: {  	v3 =	vor.u32 v3, v4  }
0x4e: {  	v4 =	vperm.xlane v3, v0;
	_ =	sdelay $0x1  }
0x4f: {  	v4 =	vadd.s32 v1, v4;
	_ =	sdelay $0x4  }
0x50: {  	[hbm4b:s3+s2] =	stream.indirect_vreg.scatter [tilespmem:s11], [sflag:$0x1], $0x80, v4, vm0, $0xb8;
	[tilespmem:$0x10100] =	vst v63  }
0x51: {  	v3 =	vperm.xlane v3, v2  }
0x52: {  	[hbm4b:s4+s2] =	stream.indirect_vreg.scatter [tilespmem:s12], [sflag:$0x1], $0x80, v4, vm0, $0xb8;
	[tilespmem:$0x10100] =	vst v63  }
0x53: {  	v3 =	vadd.s32 v1, v3  }
0x54: {  	[hbm4b:s5+s2] =	stream.indirect_vreg.scatter [tilespmem:s13], [sflag:$0x1], $0x80, v4, vm0, $0xb8;
	[tilespmem:$0x10100] =	vst v63  }
0x55: {  	_ = 	snop  }
0x56: {  	[hbm4b:s6+s2] =	stream.indirect_vreg.scatter [tilespmem:s14], [sflag:$0x1], $0x80, v4, vm0, $0xb8;
	[tilespmem:$0x10100] =	vst v63  }
0x57: {  	_ = 	snop  }
0x58: {  	[hbm4b:s3+s2] =	stream.indirect_vreg.scatter [tilespmem:s15], [sflag:$0x1], $0x80, v3, vm0, $0xb8;
	[tilespmem:$0x10100] =	vst v63  }
0x59: {  	_ = 	snop  }
0x5a: {  	[hbm4b:s4+s2] =	stream.indirect_vreg.scatter [tilespmem:s16], [sflag:$0x1], $0x80, v3, vm0, $0xb8;
	[tilespmem:$0x10100] =	vst v63  }
0x5b: {  	_ = 	snop  }
0x5c: {  	[hbm4b:s5+s2] =	stream.indirect_vreg.scatter [tilespmem:s17], [sflag:$0x1], $0x80, v3, vm0, $0xb8;
	[tilespmem:$0x10100] =	vst v63  }
0x5d: {  	_ = 	snop  }
0x5e: {  	[hbm4b:s6+s2] =	stream.indirect_vreg.scatter [tilespmem:s8], [sflag:$0x1], $0x80, v3, vm0, $0xb8;
	[tilespmem:$0x10100] =	vst v63  }
0x5f: {  	v3 =	vld [tilespmem:$0x30];
	_ =	sdelay $0x4  }
0x60: {  	v59 =	vshll.u32 v3, $0x3  }
0x61: {  	v3 =	vand.u32 $0x7, v3;
	v4 =	vand.u32 $0xFFFFFFC0, v59  }
0x62: {  	v3 =	vor.u32 v3, v4  }
0x63: {  	v4 =	vperm.xlane v3, v0;
	_ =	sdelay $0x1  }
0x64: {  	v4 =	vadd.s32 v1, v4;
	_ =	sdelay $0x3  }
0x65: {  	s0 =	simm.s32 $0xC100  }
0x66: {  	[hbm4b:s3+s2] =	stream.indirect_vreg.scatter [tilespmem:s0], [sflag:$0x1], $0x80, v4, vm0, $0xb8;
	[tilespmem:$0x10100] =	vst v63  }
0x67: {  	v3 =	vperm.xlane v3, v2;
	s0 =	simm.s32 $0xC900  }
0x68: {  	[hbm4b:s4+s2] =	stream.indirect_vreg.scatter [tilespmem:s0], [sflag:$0x1], $0x80, v4, vm0, $0xb8;
	[tilespmem:$0x10100] =	vst v63  }
0x69: {  	v3 =	vadd.s32 v1, v3;
	s0 =	simm.s32 $0xD100  }
0x6a: {  	[hbm4b:s5+s2] =	stream.indirect_vreg.scatter [tilespmem:s0], [sflag:$0x1], $0x80, v4, vm0, $0xb8;
	[tilespmem:$0x10100] =	vst v63  }
0x6b: {  	s0 =	simm.s32 $0xD900  }
0x6c: {  	[hbm4b:s6+s2] =	stream.indirect_vreg.scatter [tilespmem:s0], [sflag:$0x1], $0x80, v4, vm0, $0xb8;
	[tilespmem:$0x10100] =	vst v63  }
0x6d: {  	s0 =	simm.s32 $0xE100  }
0x6e: {  	[hbm4b:s3+s2] =	stream.indirect_vreg.scatter [tilespmem:s0], [sflag:$0x1], $0x80, v3, vm0, $0xb8;
	[tilespmem:$0x10100] =	vst v63  }
0x6f: {  	s0 =	simm.s32 $0xE900  }
0x70: {  	[hbm4b:s4+s2] =	stream.indirect_vreg.scatter [tilespmem:s0], [sflag:$0x1], $0x80, v3, vm0, $0xb8;
	[tilespmem:$0x10100] =	vst v63  }
0x71: {  	s0 =	simm.s32 $0xF100  }
0x72: {  	[hbm4b:s5+s2] =	stream.indirect_vreg.scatter [tilespmem:s0], [sflag:$0x1], $0x80, v3, vm0, $0xb8;
	[tilespmem:$0x10100] =	vst v63  }
0x73: {  	s0 =	simm.s32 $0xF900  }
0x74: {  	[hbm4b:s6+s2] =	stream.indirect_vreg.scatter [tilespmem:s0], [sflag:$0x1], $0x80, v3, vm0, $0xb8;
	[tilespmem:$0x10100] =	vst v63  }
0x75: {  	v3 =	vld [tilespmem:$0x80];
	_ =	sdelay $0x4  }
0x76: {  	v60 =	vshll.u32 v3, $0x3  }
0x77: {  	v3 =	vand.u32 $0x7, v3;
	v4 =	vand.u32 $0xFFFFFFC0, v60  }
0x78: {  	v3 =	vor.u32 v3, v4  }
0x79: {  	v4 =	vperm.xlane v3, v0;
	_ =	sdelay $0x1  }
0x7a: {  	v4 =	vadd.s32 v1, v4;
	_ =	sdelay $0x4  }
0x7b: {  	[hbm4b:s3+s2] =	stream.indirect_vreg.scatter [tilespmem:s18], [sflag:$0x1], $0x80, v4, vm0, $0xb8;
	[tilespmem:$0x10100] =	vst v63  }
0x7c: {  	v3 =	vperm.xlane v3, v2  }
0x7d: {  	[hbm4b:s4+s2] =	stream.indirect_vreg.scatter [tilespmem:s19], [sflag:$0x1], $0x80, v4, vm0, $0xb8;
	[tilespmem:$0x10100] =	vst v63  }
0x7e: {  	v3 =	vadd.s32 v1, v3  }
0x7f: {  	[hbm4b:s5+s2] =	stream.indirect_vreg.scatter [tilespmem:s20], [sflag:$0x1], $0x80, v4, vm0, $0xb8;
	[tilespmem:$0x10100] =	vst v63  }
0x80: {  	_ = 	snop  }
0x81: {  	[hbm4b:s6+s2] =	stream.indirect_vreg.scatter [tilespmem:s21], [sflag:$0x1], $0x80, v4, vm0, $0xb8;
	[tilespmem:$0x10100] =	vst v63  }
0x82: {  	_ = 	snop  }
0x83: {  	[hbm4b:s3+s2] =	stream.indirect_vreg.scatter [tilespmem:s22], [sflag:$0x1], $0x80, v3, vm0, $0xb8;
	[tilespmem:$0x10100] =	vst v63  }
0x84: {  	_ = 	snop  }
0x85: {  	[hbm4b:s4+s2] =	stream.indirect_vreg.scatter [tilespmem:s23], [sflag:$0x1], $0x80, v3, vm0, $0xb8;
	[tilespmem:$0x10100] =	vst v63  }
0x86: {  	_ = 	snop  }
0x87: {  	[hbm4b:s5+s2] =	stream.indirect_vreg.scatter [tilespmem:s24], [sflag:$0x1], $0x80, v3, vm0, $0xb8;
	[tilespmem:$0x10100] =	vst v63  }
0x88: {  	_ = 	snop  }
0x89: {  	[hbm4b:s6+s2] =	stream.indirect_vreg.scatter [tilespmem:s25], [sflag:$0x1], $0x80, v3, vm0, $0xb8;
	[tilespmem:$0x10100] =	vst v63  }
0x8a: {  	v3 =	vld [tilespmem:$0x90];
	_ =	sdelay $0x4  }
0x8b: {  	v61 =	vshll.u32 v3, $0x3  }
0x8c: {  	v3 =	vand.u32 $0x7, v3;
	v4 =	vand.u32 $0xFFFFFFC0, v61  }
0x8d: {  	v3 =	vor.u32 v3, v4  }
0x8e: {  	v4 =	vperm.xlane v3, v0;
	_ =	sdelay $0x1  }
0x8f: {  	v4 =	vadd.s32 v1, v4;
	_ =	sdelay $0x4  }
0x90: {  	[hbm4b:s3+s2] =	stream.indirect_vreg.scatter [tilespmem:s26], [sflag:$0x1], $0x80, v4, vm0, $0xb8;
	[tilespmem:$0x10100] =	vst v63  }
0x91: {  	v3 =	vperm.xlane v3, v2  }
0x92: {  	[hbm4b:s4+s2] =	stream.indirect_vreg.scatter [tilespmem:s28], [sflag:$0x1], $0x80, v4, vm0, $0xb8;
	[tilespmem:$0x10100] =	vst v63  }
0x93: {  	v3 =	vadd.s32 v1, v3  }
0x94: {  	[hbm4b:s5+s2] =	stream.indirect_vreg.scatter [tilespmem:s29], [sflag:$0x1], $0x80, v4, vm0, $0xb8;
	[tilespmem:$0x10100] =	vst v63  }
0x95: {  	_ = 	snop  }
0x96: {  	[hbm4b:s6+s2] =	stream.indirect_vreg.scatter [tilespmem:s30], [sflag:$0x1], $0x80, v4, vm0, $0xb8;
	[tilespmem:$0x10100] =	vst v63  }
0x97: {  	_ = 	snop  }
0x98: {  	[hbm4b:s3+s2] =	stream.indirect_vreg.scatter [tilespmem:s31], [sflag:$0x1], $0x80, v3, vm0, $0xb8;
	[tilespmem:$0x10100] =	vst v63  }
0x99: {  	s20 =	simm.s32 $0x6900  }
0x9a: {  	[hbm4b:s4+s2] =	stream.indirect_vreg.scatter [tilespmem:s20], [sflag:$0x1], $0x80, v3, vm0, $0xb8;
	[tilespmem:$0x10100] =	vst v63  }
0x9b: {  	_ = 	snop  }
0x9c: {  	[hbm4b:s5+s2] =	stream.indirect_vreg.scatter [tilespmem:s1], [sflag:$0x1], $0x80, v3, vm0, $0xb8;
	[tilespmem:$0x10100] =	vst v63  }
0x9d: {  	_ = 	snop  }
0x9e: {  	[hbm4b:s6+s2] =	stream.indirect_vreg.scatter [tilespmem:s10], [sflag:$0x1], $0x80, v3, vm0, $0xb8;
	[tilespmem:$0x10100] =	vst v63  }
0x9f: {  	v3 =	vld [tilespmem:$0xA0];
	_ =	sdelay $0x4  }
0xa0: {  	v62 =	vshll.u32 v3, $0x3  }
0xa1: {  	v3 =	vand.u32 $0x7, v3;
	v4 =	vand.u32 $0xFFFFFFC0, v62  }
0xa2: {  	v3 =	vor.u32 v3, v4  }
0xa3: {  	v4 =	vperm.xlane v3, v0;
	_ =	sdelay $0x1  }
0xa4: {  	v4 =	vadd.s32 v1, v4;
	_ =	sdelay $0x4  }
0xa5: {  	[hbm4b:s3+s2] =	stream.indirect_vreg.scatter [tilespmem:s11], [sflag:$0x1], $0x80, v4, vm0, $0xb8;
	[tilespmem:$0x10100] =	vst v63  }
0xa6: {  	v3 =	vperm.xlane v3, v2  }
0xa7: {  	[hbm4b:s4+s2] =	stream.indirect_vreg.scatter [tilespmem:s12], [sflag:$0x1], $0x80, v4, vm0, $0xb8;
	[tilespmem:$0x10100] =	vst v63  }
0xa8: {  	v3 =	vadd.s32 v1, v3  }
0xa9: {  	[hbm4b:s5+s2] =	stream.indirect_vreg.scatter [tilespmem:s13], [sflag:$0x1], $0x80, v4, vm0, $0xb8;
	[tilespmem:$0x10100] =	vst v63  }
0xaa: {  	_ = 	snop  }
0xab: {  	[hbm4b:s6+s2] =	stream.indirect_vreg.scatter [tilespmem:s14], [sflag:$0x1], $0x80, v4, vm0, $0xb8;
	[tilespmem:$0x10100] =	vst v63  }
0xac: {  	_ = 	snop  }
0xad: {  	[hbm4b:s3+s2] =	stream.indirect_vreg.scatter [tilespmem:s15], [sflag:$0x1], $0x80, v3, vm0, $0xb8;
	[tilespmem:$0x10100] =	vst v63  }
0xae: {  	_ = 	snop  }
0xaf: {  	[hbm4b:s4+s2] =	stream.indirect_vreg.scatter [tilespmem:s16], [sflag:$0x1], $0x80, v3, vm0, $0xb8;
	[tilespmem:$0x10100] =	vst v63  }
0xb0: {  	_ = 	snop  }
0xb1: {  	[hbm4b:s5+s2] =	stream.indirect_vreg.scatter [tilespmem:s17], [sflag:$0x1], $0x80, v3, vm0, $0xb8;
	[tilespmem:$0x10100] =	vst v63  }
0xb2: {  	_ = 	snop  }
0xb3: {  	[hbm4b:s6+s2] =	stream.indirect_vreg.scatter [tilespmem:s8], [sflag:$0x1], $0x80, v3, vm0, $0xb8;
	[tilespmem:$0x10100] =	vst v63  }
0xb4: {  	v3 =	vld [tilespmem:$0xB0];
	_ =	sdelay $0x4  }
0xb5: {  	v63 =	vshll.u32 v3, $0x3  }
0xb6: {  	v3 =	vand.u32 $0x7, v3;
	v4 =	vand.u32 $0xFFFFFFC0, v63  }
0xb7: {  	v3 =	vor.u32 v3, v4  }
0xb8: {  	v4 =	vperm.xlane v3, v0;
	_ =	sdelay $0x1  }
0xb9: {  	v4 =	vadd.s32 v1, v4;
	_ =	sdelay $0x3  }
0xba: {  	s19 =	simm.s32 $0xC100  }
0xbb: {  	[hbm4b:s3+s2] =	stream.indirect_vreg.scatter [tilespmem:s19], [sflag:$0x1], $0x80, v4, vm0, $0xb8;
	[tilespmem:$0x10100] =	vst v63  }
0xbc: {  	s20 =	simm.s32 $0xC900;
	v3 =	vperm.xlane v3, v2  }
0xbd: {  	[hbm4b:s4+s2] =	stream.indirect_vreg.scatter [tilespmem:s20], [sflag:$0x1], $0x80, v4, vm0, $0xb8;
	[tilespmem:$0x10100] =	vst v63  }
0xbe: {  	s18 =	simm.s32 $0xD100;
	v3 =	vadd.s32 v1, v3  }
0xbf: {  	[hbm4b:s5+s2] =	stream.indirect_vreg.scatter [tilespmem:s18], [sflag:$0x1], $0x80, v4, vm0, $0xb8;
	[tilespmem:$0x10100] =	vst v63  }
0xc0: {  	s19 =	simm.s32 $0xD900  }
0xc1: {  	[hbm4b:s6+s2] =	stream.indirect_vreg.scatter [tilespmem:s19], [sflag:$0x1], $0x80, v4, vm0, $0xb8;
	[tilespmem:$0x10100] =	vst v63  }
0xc2: {  	s20 =	simm.s32 $0xE100  }
0xc3: {  	[hbm4b:s3+s2] =	stream.indirect_vreg.scatter [tilespmem:s20], [sflag:$0x1], $0x80, v3, vm0, $0xb8;
	[tilespmem:$0x10100] =	vst v63  }
0xc4: {  	s18 =	simm.s32 $0xE900  }
0xc5: {  	[hbm4b:s4+s2] =	stream.indirect_vreg.scatter [tilespmem:s18], [sflag:$0x1], $0x80, v3, vm0, $0xb8;
	[tilespmem:$0x10100] =	vst v63  }
0xc6: {  	s19 =	simm.s32 $0xF100  }
0xc7: {  	[hbm4b:s5+s2] =	stream.indirect_vreg.scatter [tilespmem:s19], [sflag:$0x1], $0x80, v3, vm0, $0xb8;
	[tilespmem:$0x10100] =	vst v63  }
0xc8: {  	s20 =	simm.s32 $0x1  }
0xc9: {  	[hbm4b:s6+s2] =	stream.indirect_vreg.scatter [tilespmem:s0], [sflag:$0x1], $0x80, v3, vm0, $0xb8;
	[tilespmem:$0x10100] =	vst v63  }
0xca: {  	p0 =	sne.s32 s7, $0x1;
	_ =	swait.ge [sflag:s20], $0x10000  }
.Ltmp0:
0xcb: {  	[sflag:s20] =	ssyncset.done $0x0;
	(pc) =	sbr.rel @p0 .LBB2_1-.Ltmp0, $4  }
0xcc: {  	[sflag:s20] =	ssyncadd.s32 $0xFFFF0000  }
0xcd: {  	_ =	swait.ge [sflag:s20], $0x10000  }
0xce: {  	[sflag:s20] =	ssyncset.done $0x0  }
0xcf: {  	s7 =	sadd.s32 $0xFFFFFFFF, s7;
	[sflag:s20] =	ssyncadd.s32 $0xFFFF0000  }
0xd0: {  	_ =	sfence.sel $0x180000  }
0xd1: {  	[bflag:$0x0] =	sbarrier.arrive $0xFFFF  }
0xd2: {  	_ =	strace $0x90000047  }
0xd3: {  	s0 =	stileid.u32;
	[bflag:$0x2] =	sbarrier.arrive $0xFFFF  }
0xd4: {  	p0 =	sne.s32 s0, $0x0;
	s0 =	rddreg [dreg:$0x2]  }
0xd5: {  	s0 =	sadd.s32 @!p0 $0x100000, s0  }
0xd6: {  	[sflag:s0] =	ssyncadd.tile.s32 @!p0 $0x1;
	_ =	shalt  }
.Lfunc_end2:
_tile_overlayer_lowered:
.L_overlay_start_2:
0xd7: {  	(tag) =	ssettag $0x2  }
0xd8: {  	s0 =	rddreg [dreg:$0x0];
	s2 =	stileid.u32  }
0xd9: {  	s1 =	rddreg [dreg:$0x1];
	p0 =	sne.s32 s2, $0x0  }
0xda: {  	s3 =	rddreg [dreg:$0x2];
	[bflag:$0x3] =	sbarrier.arrive $0xFFFF;
	s2 =	simm.s32 @!p0 $0x1C02  }
0xdb: {  	[timem:s3], [sflag:s2] =	dma.local @!p0 [hbm:s0], s1  }
0xdc: {  	s0 =	simm.s32 @!p0 $0x2  }
0xdd: {  	_ =	swait.ge @!p0 [sflag:s0], s1  }
0xde: {  	s1 =	ssub.s32 @!p0 $0x0, s1;
	[sflag:s0] =	ssyncset.done @!p0 $0x0  }
0xdf: {  	[sflag:s0] =	ssyncadd.s32 @!p0 s1  }
0xe0: {  	[bflag:$0x3] =	sbarrier.arrive $0xFFFF  }
0xe1: {  	_ =	shalt  }

</sc_bundles>
